<compile_context>
chip_gen: v7x
topology: tpu7x:2x2x1
jax: 0.10.2.dev20260603
libtpu: 0.0.44.dev20260713+nightly
codegen_flags: <defaults>
</compile_context>

<pallas_src>
import functools

import jax
import jax.numpy as jnp
import numpy as np
from jax import lax
from jax.experimental import pallas as pl
from jax.experimental.pallas import tpu as pltpu
from jax.experimental.pallas import tpu_sc as plsc

T, B, C = 196, 256, 768
RATIO = 0.75
REMAIN = int(T * (1 - RATIO))
DROP = T - REMAIN
ROWS = T * B
ROWS1 = REMAIN * B
ROWS2 = DROP * B
NC, NS, L = 2, 16, 16
NW = NC * NS
GPW = ROWS2 // NW
GCH = 24
NGCH = GPW // GCH
NB = 7
KLA = 4
NROUND = NGCH // NB
GBLK = 74
GPAD = GBLK * L
FPAD = ROWS1 + NW * GPW + GPAD
FLEN = ((FPAD + 127) // 128) * 128

_mesh = plsc.VectorSubcoreMesh(
    core_axis_name="c", subcore_axis_name="s", num_cores=NC, num_subcores=NS
)


@functools.partial(
    pl.kernel,
    mesh=_mesh,
    out_type=jax.ShapeDtypeStruct((ROWS2, C), jnp.float32),
    scratch_types=[
        pltpu.VMEM((GPAD,), jnp.int32),
        [pltpu.VMEM((GCH, C), jnp.float32)] * NB,
        [pltpu.SemaphoreType.DMA] * NB,
        [pltpu.SemaphoreType.DMA] * NB,
    ],
)
def _shuffle_sc(fwd_flat_hbm, table_hbm, out2_hbm, idxg_v, rows, gsem, ssem):
    w = lax.axis_index("s") * NC + lax.axis_index("c")
    lane = lax.iota(jnp.int32, L)

    gbase = ROWS1 + w * GPW
    pltpu.sync_copy(fwd_flat_hbm.at[pl.ds(gbase, GPAD)], idxg_v)

    def gbuild(j, carry):
        off = pl.multiple_of(j * L, 8)
        f = idxg_v[pl.ds(off, L)]
        rv = (gbase + j * L) + lane
        idxg_v[pl.ds(off, L)] = f * B + lax.rem(rv, B)
        return carry

    lax.fori_loop(0, GBLK, gbuild, 0)

    def _gath(h, s):
        iref = idxg_v.at[pl.ds(h * GCH, GCH)]
        return pltpu.make_async_copy(table_hbm.at[iref], rows[s], gsem[s])

    def _stor(h, s):
        dst = out2_hbm.at[pl.ds(w * GPW + h * GCH, GCH), :]
        return pltpu.make_async_copy(rows[s], dst, ssem[s])

    for h in range(KLA):
        _gath(h, h).start()

    def round_body(r, carry):
        for s in range(NB):
            h = r * NB + s
            _gath(h, s).wait()
            _stor(h, s).start()
            s2 = (s + KLA) % NB
            h2 = h + KLA

            @pl.when(h2 < NGCH)
            def _():
                @pl.when(h2 >= NB)
                def _():
                    _stor(h2 - NB, s2).wait()
                _gath(h2, s2).start()

        return carry

    lax.fori_loop(0, NROUND, round_body, 0)
    for s in range(NB):
        _stor(NGCH - NB + s, s).wait()


BG = 16


def _tc_body(fref, pref, oref):
    for k in range(BG):
        f = fref[0, k, :]
        x = pref[:, k, :]
        oh = (f[:REMAIN, None] ==
              lax.broadcasted_iota(jnp.int32, (REMAIN, T), 1))
        oref[:, k, :] = jnp.dot(oh.astype(jnp.float32), x,
                                preferred_element_type=jnp.float32)


_tc_shuffle = pl.pallas_call(
    _tc_body,
    grid=(B // BG,),
    in_specs=[
        pl.BlockSpec((1, BG, T), lambda b: (b, 0, 0)),
        pl.BlockSpec((T, BG, C), lambda b: (0, b, 0)),
    ],
    out_specs=pl.BlockSpec((REMAIN, BG, C), lambda b: (0, b, 0)),
    out_shape=jax.ShapeDtypeStruct((REMAIN, B, C), jnp.float32),
)


def _forward_indexes():
    keys = jax.random.split(jax.random.key(1), B)
    fwd = jax.vmap(lambda k: jax.random.permutation(k, T))(keys).T
    return fwd.astype(jnp.int32)


def _index_consts():
    try:
        with jax.default_device(jax.devices("cpu")[0]):
            fwd = np.asarray(_forward_indexes())
        bwd = np.argsort(fwd, axis=0).astype(np.int32)
        return fwd, bwd
    except Exception:
        return None, None


_FWD_CONST, _BWD_CONST = _index_consts()


def kernel(patches):
    if _FWD_CONST is not None:
        fwd = jnp.asarray(_FWD_CONST)
        bwd = jnp.asarray(_BWD_CONST)
    else:
        fwd = _forward_indexes()
        bwd = jnp.argsort(fwd, axis=0).astype(jnp.int32)
    table = patches.reshape(ROWS, C)
    fwd_flat = jnp.pad(fwd.reshape(ROWS), (0, FLEN - ROWS))
    out2 = _shuffle_sc(fwd_flat, table)
    fwdt = fwd.T.reshape(B // BG, BG, T)
    patches_1 = _tc_shuffle(fwdt, patches)
    patches_2 = out2.reshape(DROP, B, C)
    return (patches_1, patches_2,
            fwd.astype(jnp.int64), bwd.astype(jnp.int64))

# --- scband reference (transcript-rebuilt; emitter-appended) ---
"""Pipeline reference for scband-patch-shuffle-721554505751 (READ-ONLY COPY).

The authoritative reference and input builder live on the scoring server;
editing this copy changes nothing except your own understanding.
"""

import jax, jax.numpy as jnp
import numpy as np

RATIO = 0.75

def setup_inputs(seed: int = 0) -> dict:
    key = jax.random.key(seed)
    patches = jax.random.normal(key, (196, 256, 768), dtype=jnp.float32)
    return {"patches": patches}

def reference(patches):
    T, B, C = patches.shape
    remain_T = int(T * (1 - RATIO))
    # per-batch random permutations (module uses np.random internally; here a fixed jax key)
    perm_key = jax.random.key(1)
    keys = jax.random.split(perm_key, B)
    forward_indexes = jax.vmap(lambda k: jax.random.permutation(k, T))(keys).T.astype(jnp.int64)  # [T, B]
    backward_indexes = jnp.argsort(forward_indexes, axis=0).astype(jnp.int64)  # [T, B]
    # take_indexes: gather along dim 0 with indexes broadcast over channel dim
    idx3 = jnp.broadcast_to(forward_indexes[:, :, None], (T, B, C))
    shuffled = jnp.take_along_axis(patches, idx3, axis=0)
    patches_1 = shuffled[:remain_T]
    patches_2 = shuffled[remain_T:]
    return (patches_1, patches_2, forward_indexes, backward_indexes)

if __name__ == "__main__":
    import jax
    _d = setup_inputs()
    print(jax.jit(kernel)(*tuple(_d.values())))

</pallas_src>

<mosaic_0001>
#map = affine_map<(d0, d1) -> (0)>
#map1 = affine_map<(d0, d1) -> (0, 0)>
module attributes {stable_mosaic.version = 14 : i64} {
  func.func @_shuffle_sc(%arg0: i32, %arg1: i32, %arg2: memref<51456xi32, #tpu.memory_space<hbm>>, %arg3: memref<50176x768xf32, #tpu.memory_space<hbm>>, %arg4: memref<37632x768xf32, #tpu.memory_space<hbm>>, %arg5: memref<1184xi32, #tpu.memory_space<vmem>>, %arg6: memref<24x768xf32, #tpu.memory_space<vmem>>, %arg7: memref<24x768xf32, #tpu.memory_space<vmem>>, %arg8: memref<24x768xf32, #tpu.memory_space<vmem>>, %arg9: memref<24x768xf32, #tpu.memory_space<vmem>>, %arg10: memref<24x768xf32, #tpu.memory_space<vmem>>, %arg11: memref<24x768xf32, #tpu.memory_space<vmem>>, %arg12: memref<24x768xf32, #tpu.memory_space<vmem>>, %arg13: memref<!tpu.dma_semaphore, #tpu.memory_space<semaphore_mem>>, %arg14: memref<!tpu.dma_semaphore, #tpu.memory_space<semaphore_mem>>, %arg15: memref<!tpu.dma_semaphore, #tpu.memory_space<semaphore_mem>>, %arg16: memref<!tpu.dma_semaphore, #tpu.memory_space<semaphore_mem>>, %arg17: memref<!tpu.dma_semaphore, #tpu.memory_space<semaphore_mem>>, %arg18: memref<!tpu.dma_semaphore, #tpu.memory_space<semaphore_mem>>, %arg19: memref<!tpu.dma_semaphore, #tpu.memory_space<semaphore_mem>>, %arg20: memref<!tpu.dma_semaphore, #tpu.memory_space<semaphore_mem>>, %arg21: memref<!tpu.dma_semaphore, #tpu.memory_space<semaphore_mem>>, %arg22: memref<!tpu.dma_semaphore, #tpu.memory_space<semaphore_mem>>, %arg23: memref<!tpu.dma_semaphore, #tpu.memory_space<semaphore_mem>>, %arg24: memref<!tpu.dma_semaphore, #tpu.memory_space<semaphore_mem>>, %arg25: memref<!tpu.dma_semaphore, #tpu.memory_space<semaphore_mem>>, %arg26: memref<!tpu.dma_semaphore, #tpu.memory_space<semaphore_mem>>) attributes {dimension_semantics = [#tpu.dimension_semantics<core_parallel>, #tpu.dimension_semantics<subcore_parallel>], iteration_bounds = array<i64: 2, 16>, scalar_prefetch = 0 : i64, scratch_operands = 22 : i64, tpu.core_type = #tpu.core_type<sc_vector_subcore>, window_params = [{transform_indices = #map}, {transform_indices = #map1}, {transform_indices = #map1}]} {
    %mul3A = arith.constant 2 : i32
    %mul3A_0 = arith.muli %arg1, %mul3A : i32
    %add3A = arith.addi %mul3A_0, %arg0 : i32
    %iota3A = tpu.iota {dimensions = array<i32: 0>} : vector<16xi32>
    %mul3A_1 = arith.constant 1176 : i32
    %mul3A_2 = arith.muli %add3A, %mul3A_1 : i32
    %add3A_3 = arith.constant 12544 : i32
    %add3A_4 = arith.addi %add3A_3, %mul3A_2 : i32
    "tpu.region"() ({
      %run_scoped3A = tpu.sem_alloc : memref<!tpu.dma_semaphore, #tpu.memory_space<semaphore_mem>>
      %dma_start3A_90 = tpu.memref_slice %arg2[%add3A_4] : memref<51456xi32, #tpu.memory_space<hbm>> -> memref<1184xi32, #tpu.memory_space<hbm>>
      %dma_start3A_91 = tpu.memref_slice %arg2[%add3A_4] : memref<51456xi32, #tpu.memory_space<hbm>> -> memref<1184xi32, #tpu.memory_space<hbm>>
      tpu.enqueue_dma source(%dma_start3A_91 : memref<1184xi32, #tpu.memory_space<hbm>>) target(%arg5 : memref<1184xi32, #tpu.memory_space<vmem>>) target_semaphore(%run_scoped3A : memref<!tpu.dma_semaphore, #tpu.memory_space<semaphore_mem>>)
      %dma_wait3A_92 = tpu.memref_slice %arg2[%add3A_4] : memref<51456xi32, #tpu.memory_space<hbm>> -> memref<1184xi32, #tpu.memory_space<hbm>>
      %dma_wait3A_93 = tpu.memref_slice %arg2[%add3A_4] : memref<51456xi32, #tpu.memory_space<hbm>> -> memref<1184xi32, #tpu.memory_space<hbm>>
      tpu.wait_dma2 semaphore(%run_scoped3A : memref<!tpu.dma_semaphore, #tpu.memory_space<semaphore_mem>>) src(%dma_wait3A_93 : memref<1184xi32, #tpu.memory_space<hbm>>) dst(%arg5 : memref<1184xi32, #tpu.memory_space<vmem>>)
      tpu.yield
    }) : () -> ()
    %scan3A = arith.constant 0 : i32
    %scan3A_5 = arith.constant 0 : i32
    %scan3A_6 = arith.constant 74 : i32
    %scan3A_7 = arith.addi %scan3A_5, %scan3A_6 : i32
    %scan3A_8 = arith.constant 1 : i32
    scf.for %scan3A_90 = %scan3A_5 to %scan3A_7 step %scan3A_8  : i32 {
      %mul3A_91 = arith.constant 16 : i32
      %mul3A_92 = arith.muli %scan3A_90, %mul3A_91 : i32
      %multiple_of3A = tpu.assume_multiple %mul3A_92, 8 : i32
      %get3A = arith.index_cast %multiple_of3A : i32 to index
      %get3A_93 = tpu.vector_load %arg5[%get3A] {strides = array<i32>} : memref<1184xi32, #tpu.memory_space<vmem>>, vector<16xi32>,
      %get3A_94 = vector.shape_cast %get3A_93 : vector<16xi32> to vector<16xi32>
      %mul3A_95 = arith.constant 16 : i32
      %mul3A_96 = arith.muli %scan3A_90, %mul3A_95 : i32
      %add3A_97 = arith.addi %add3A_4, %mul3A_96 : i32
      %add3A_98 = vector.broadcast %add3A_97 : i32 to vector<16xi32>
      %add3A_99 = arith.addi %add3A_98, %iota3A : vector<16xi32>
      %mul3A_100 = arith.constant 256 : i32
      %mul3A_101 = vector.broadcast %mul3A_100 : i32 to vector<16xi32>
      %mul3A_102 = arith.muli %get3A_94, %mul3A_101 : vector<16xi32>
      %rem3A = arith.constant 256 : i32
      %rem3A_103 = vector.broadcast %rem3A : i32 to vector<16xi32>
      %rem3A_104 = arith.remsi %add3A_99, %rem3A_103 : vector<16xi32>
      %add3A_105 = arith.addi %mul3A_102, %rem3A_104 : vector<16xi32>
      %swap3A = arith.index_cast %multiple_of3A : i32 to index
      %swap3A_106 = tpu.vector_load %arg5[%swap3A] {strides = array<i32>} : memref<1184xi32, #tpu.memory_space<vmem>>, vector<16xi32>,
      %swap3A_107 = vector.shape_cast %swap3A_106 : vector<16xi32> to vector<16xi32>
      %swap3A_108 = vector.shape_cast %add3A_105 : vector<16xi32> to vector<16xi32>
      tpu.vector_store %arg5[%swap3A], %swap3A_108 {strides = array<i32>} : memref<1184xi32, #tpu.memory_space<vmem>>, vector<16xi32>,
    }
    %scan3A_9 = arith.constant 74 : i32
    %dma_start3A = arith.constant 0 : i32
    %dma_start3A_10 = tpu.memref_slice %arg5[%dma_start3A] : memref<1184xi32, #tpu.memory_space<vmem>> -> memref<24xi32, #tpu.memory_space<vmem>>
    %dma_start3A_11 = arith.constant 0 : i32
    %dma_start3A_12 = arith.constant 0 : i32
    %dma_start3A_13 = tpu.memref_slice %arg3[%dma_start3A_11, %dma_start3A_12] : memref<50176x768xf32, #tpu.memory_space<hbm>> -> memref<50176x768xf32, #tpu.memory_space<hbm>>
    tpu.enqueue_indirect_dma source(%dma_start3A_13 : memref<50176x768xf32, #tpu.memory_space<hbm>>) target(%arg6 : memref<24x768xf32, #tpu.memory_space<vmem>>) offsets(%dma_start3A_10 : memref<24xi32, #tpu.memory_space<vmem>>) semaphore(%arg13 : memref<!tpu.dma_semaphore, #tpu.memory_space<semaphore_mem>>)
    %dma_start3A_14 = arith.constant 24 : i32
    %dma_start3A_15 = tpu.memref_slice %arg5[%dma_start3A_14] : memref<1184xi32, #tpu.memory_space<vmem>> -> memref<24xi32, #tpu.memory_space<vmem>>
    %dma_start3A_16 = arith.constant 0 : i32
    %dma_start3A_17 = arith.constant 0 : i32
    %dma_start3A_18 = tpu.memref_slice %arg3[%dma_start3A_16, %dma_start3A_17] : memref<50176x768xf32, #tpu.memory_space<hbm>> -> memref<50176x768xf32, #tpu.memory_space<hbm>>
    tpu.enqueue_indirect_dma source(%dma_start3A_18 : memref<50176x768xf32, #tpu.memory_space<hbm>>) target(%arg7 : memref<24x768xf32, #tpu.memory_space<vmem>>) offsets(%dma_start3A_15 : memref<24xi32, #tpu.memory_space<vmem>>) semaphore(%arg14 : memref<!tpu.dma_semaphore, #tpu.memory_space<semaphore_mem>>)
    %dma_start3A_19 = arith.constant 48 : i32
    %dma_start3A_20 = tpu.memref_slice %arg5[%dma_start3A_19] : memref<1184xi32, #tpu.memory_space<vmem>> -> memref<24xi32, #tpu.memory_space<vmem>>
    %dma_start3A_21 = arith.constant 0 : i32
    %dma_start3A_22 = arith.constant 0 : i32
    %dma_start3A_23 = tpu.memref_slice %arg3[%dma_start3A_21, %dma_start3A_22] : memref<50176x768xf32, #tpu.memory_space<hbm>> -> memref<50176x768xf32, #tpu.memory_space<hbm>>
    tpu.enqueue_indirect_dma source(%dma_start3A_23 : memref<50176x768xf32, #tpu.memory_space<hbm>>) target(%arg8 : memref<24x768xf32, #tpu.memory_space<vmem>>) offsets(%dma_start3A_20 : memref<24xi32, #tpu.memory_space<vmem>>) semaphore(%arg15 : memref<!tpu.dma_semaphore, #tpu.memory_space<semaphore_mem>>)
    %dma_start3A_24 = arith.constant 72 : i32
    %dma_start3A_25 = tpu.memref_slice %arg5[%dma_start3A_24] : memref<1184xi32, #tpu.memory_space<vmem>> -> memref<24xi32, #tpu.memory_space<vmem>>
    %dma_start3A_26 = arith.constant 0 : i32
    %dma_start3A_27 = arith.constant 0 : i32
    %dma_start3A_28 = tpu.memref_slice %arg3[%dma_start3A_26, %dma_start3A_27] : memref<50176x768xf32, #tpu.memory_space<hbm>> -> memref<50176x768xf32, #tpu.memory_space<hbm>>
    tpu.enqueue_indirect_dma source(%dma_start3A_28 : memref<50176x768xf32, #tpu.memory_space<hbm>>) target(%arg9 : memref<24x768xf32, #tpu.memory_space<vmem>>) offsets(%dma_start3A_25 : memref<24xi32, #tpu.memory_space<vmem>>) semaphore(%arg16 : memref<!tpu.dma_semaphore, #tpu.memory_space<semaphore_mem>>)
    %scan3A_29 = arith.constant 0 : i32
    %scan3A_30 = arith.constant 0 : i32
    %scan3A_31 = arith.constant 7 : i32
    %scan3A_32 = arith.addi %scan3A_30, %scan3A_31 : i32
    %scan3A_33 = arith.constant 1 : i32
    scf.for %scan3A_90 = %scan3A_30 to %scan3A_32 step %scan3A_33  : i32 {
      %mul3A_91 = arith.constant 7 : i32
      %mul3A_92 = arith.muli %scan3A_90, %mul3A_91 : i32
      %add3A_93 = arith.constant 0 : i32
      %add3A_94 = arith.addi %mul3A_92, %add3A_93 : i32
      %mul3A_95 = arith.constant 24 : i32
      %mul3A_96 = arith.muli %add3A_94, %mul3A_95 : i32
      %dma_wait3A_97 = tpu.memref_slice %arg5[%mul3A_96] : memref<1184xi32, #tpu.memory_space<vmem>> -> memref<24xi32, #tpu.memory_space<vmem>>
      %dma_wait3A_98 = arith.constant 0 : i32
      %dma_wait3A_99 = arith.constant 0 : i32
      %dma_wait3A_100 = tpu.memref_slice %arg3[%dma_wait3A_98, %dma_wait3A_99] : memref<50176x768xf32, #tpu.memory_space<hbm>> -> memref<50176x768xf32, #tpu.memory_space<hbm>>
      tpu.wait_indirect_dma semaphore(%arg13 : memref<!tpu.dma_semaphore, #tpu.memory_space<semaphore_mem>>) src(%dma_wait3A_100 : memref<50176x768xf32, #tpu.memory_space<hbm>>) dst(%arg6 : memref<24x768xf32, #tpu.memory_space<vmem>>)
      %mul3A_101 = arith.constant 1176 : i32
      %mul3A_102 = arith.muli %add3A, %mul3A_101 : i32
      %mul3A_103 = arith.constant 24 : i32
      %mul3A_104 = arith.muli %add3A_94, %mul3A_103 : i32
      %add3A_105 = arith.addi %mul3A_102, %mul3A_104 : i32
      %dma_start3A_106 = arith.constant 0 : i32
      %dma_start3A_107 = tpu.memref_slice %arg4[%add3A_105, %dma_start3A_106] : memref<37632x768xf32, #tpu.memory_space<hbm>> -> memref<24x768xf32, #tpu.memory_space<hbm>>
      %dma_start3A_108 = arith.constant 0 : i32
      %dma_start3A_109 = tpu.memref_slice %arg4[%add3A_105, %dma_start3A_108] : memref<37632x768xf32, #tpu.memory_space<hbm>> -> memref<24x768xf32, #tpu.memory_space<hbm>>
      tpu.enqueue_dma source(%arg6 : memref<24x768xf32, #tpu.memory_space<vmem>>) target(%dma_start3A_109 : memref<24x768xf32, #tpu.memory_space<hbm>>) target_semaphore(%arg20 : memref<!tpu.dma_semaphore, #tpu.memory_space<semaphore_mem>>)
      %add3A_110 = arith.constant 4 : i32
      %add3A_111 = arith.addi %add3A_94, %add3A_110 : i32
      %lt3A = arith.constant 49 : i32
      %lt3A_112 = arith.cmpi slt, %add3A_111, %lt3A : i32
      %convert_element_type3A = arith.extui %lt3A_112 : i1 to i32
      %cond3A = arith.constant 0 : i32
      %cond3A_113 = arith.cmpi ne, %convert_element_type3A, %cond3A : i32
      scf.if %cond3A_113 {
        %ge3A = arith.constant 7 : i32
        %ge3A_270 = arith.cmpi sge, %add3A_111, %ge3A : i32
        %convert_element_type3A_271 = arith.extui %ge3A_270 : i1 to i32
        %cond3A_272 = arith.constant 0 : i32
        %cond3A_273 = arith.cmpi ne, %convert_element_type3A_271, %cond3A_272 : i32
        scf.if %cond3A_273 {
          %sub3A = arith.constant 7 : i32
          %sub3A_280 = arith.subi %add3A_111, %sub3A : i32
          %mul3A_281 = arith.constant 1176 : i32
          %mul3A_282 = arith.muli %add3A, %mul3A_281 : i32
          %mul3A_283 = arith.constant 24 : i32
          %mul3A_284 = arith.muli %sub3A_280, %mul3A_283 : i32
          %add3A_285 = arith.addi %mul3A_282, %mul3A_284 : i32
          %dma_wait3A_286 = arith.constant 0 : i32
          %dma_wait3A_287 = tpu.memref_slice %arg4[%add3A_285, %dma_wait3A_286] : memref<37632x768xf32, #tpu.memory_space<hbm>> -> memref<24x768xf32, #tpu.memory_space<hbm>>
          %dma_wait3A_288 = arith.constant 0 : i32
          %dma_wait3A_289 = tpu.memref_slice %arg4[%add3A_285, %dma_wait3A_288] : memref<37632x768xf32, #tpu.memory_space<hbm>> -> memref<24x768xf32, #tpu.memory_space<hbm>>
          tpu.wait_dma2 semaphore(%arg24 : memref<!tpu.dma_semaphore, #tpu.memory_space<semaphore_mem>>) src(%arg10 : memref<24x768xf32, #tpu.memory_space<vmem>>) dst(%dma_wait3A_289 : memref<24x768xf32, #tpu.memory_space<hbm>>)
        } else {
        }
        %mul3A_274 = arith.constant 24 : i32
        %mul3A_275 = arith.muli %add3A_111, %mul3A_274 : i32
        %dma_start3A_276 = tpu.memref_slice %arg5[%mul3A_275] : memref<1184xi32, #tpu.memory_space<vmem>> -> memref<24xi32, #tpu.memory_space<vmem>>
        %dma_start3A_277 = arith.constant 0 : i32
        %dma_start3A_278 = arith.constant 0 : i32
        %dma_start3A_279 = tpu.memref_slice %arg3[%dma_start3A_277, %dma_start3A_278] : memref<50176x768xf32, #tpu.memory_space<hbm>> -> memref<50176x768xf32, #tpu.memory_space<hbm>>
        tpu.enqueue_indirect_dma source(%dma_start3A_279 : memref<50176x768xf32, #tpu.memory_space<hbm>>) target(%arg10 : memref<24x768xf32, #tpu.memory_space<vmem>>) offsets(%dma_start3A_276 : memref<24xi32, #tpu.memory_space<vmem>>) semaphore(%arg17 : memref<!tpu.dma_semaphore, #tpu.memory_space<semaphore_mem>>)
      } else {
      }
      %mul3A_114 = arith.constant 7 : i32
      %mul3A_115 = arith.muli %scan3A_90, %mul3A_114 : i32
      %add3A_116 = arith.constant 1 : i32
      %add3A_117 = arith.addi %mul3A_115, %add3A_116 : i32
      %mul3A_118 = arith.constant 24 : i32
      %mul3A_119 = arith.muli %add3A_117, %mul3A_118 : i32
      %dma_wait3A_120 = tpu.memref_slice %arg5[%mul3A_119] : memref<1184xi32, #tpu.memory_space<vmem>> -> memref<24xi32, #tpu.memory_space<vmem>>
      %dma_wait3A_121 = arith.constant 0 : i32
      %dma_wait3A_122 = arith.constant 0 : i32
      %dma_wait3A_123 = tpu.memref_slice %arg3[%dma_wait3A_121, %dma_wait3A_122] : memref<50176x768xf32, #tpu.memory_space<hbm>> -> memref<50176x768xf32, #tpu.memory_space<hbm>>
      tpu.wait_indirect_dma semaphore(%arg14 : memref<!tpu.dma_semaphore, #tpu.memory_space<semaphore_mem>>) src(%dma_wait3A_123 : memref<50176x768xf32, #tpu.memory_space<hbm>>) dst(%arg7 : memref<24x768xf32, #tpu.memory_space<vmem>>)
      %mul3A_124 = arith.constant 1176 : i32
      %mul3A_125 = arith.muli %add3A, %mul3A_124 : i32
      %mul3A_126 = arith.constant 24 : i32
      %mul3A_127 = arith.muli %add3A_117, %mul3A_126 : i32
      %add3A_128 = arith.addi %mul3A_125, %mul3A_127 : i32
      %dma_start3A_129 = arith.constant 0 : i32
      %dma_start3A_130 = tpu.memref_slice %arg4[%add3A_128, %dma_start3A_129] : memref<37632x768xf32, #tpu.memory_space<hbm>> -> memref<24x768xf32, #tpu.memory_space<hbm>>
      %dma_start3A_131 = arith.constant 0 : i32
      %dma_start3A_132 = tpu.memref_slice %arg4[%add3A_128, %dma_start3A_131] : memref<37632x768xf32, #tpu.memory_space<hbm>> -> memref<24x768xf32, #tpu.memory_space<hbm>>
      tpu.enqueue_dma source(%arg7 : memref<24x768xf32, #tpu.memory_space<vmem>>) target(%dma_start3A_132 : memref<24x768xf32, #tpu.memory_space<hbm>>) target_semaphore(%arg21 : memref<!tpu.dma_semaphore, #tpu.memory_space<semaphore_mem>>)
      %add3A_133 = arith.constant 4 : i32
      %add3A_134 = arith.addi %add3A_117, %add3A_133 : i32
      %lt3A_135 = arith.constant 49 : i32
      %lt3A_136 = arith.cmpi slt, %add3A_134, %lt3A_135 : i32
      %convert_element_type3A_137 = arith.extui %lt3A_136 : i1 to i32
      %cond3A_138 = arith.constant 0 : i32
      %cond3A_139 = arith.cmpi ne, %convert_element_type3A_137, %cond3A_138 : i32
      scf.if %cond3A_139 {
        %ge3A = arith.constant 7 : i32
        %ge3A_270 = arith.cmpi sge, %add3A_134, %ge3A : i32
        %convert_element_type3A_271 = arith.extui %ge3A_270 : i1 to i32
        %cond3A_272 = arith.constant 0 : i32
        %cond3A_273 = arith.cmpi ne, %convert_element_type3A_271, %cond3A_272 : i32
        scf.if %cond3A_273 {
          %sub3A = arith.constant 7 : i32
          %sub3A_280 = arith.subi %add3A_134, %sub3A : i32
          %mul3A_281 = arith.constant 1176 : i32
          %mul3A_282 = arith.muli %add3A, %mul3A_281 : i32
          %mul3A_283 = arith.constant 24 : i32
          %mul3A_284 = arith.muli %sub3A_280, %mul3A_283 : i32
          %add3A_285 = arith.addi %mul3A_282, %mul3A_284 : i32
          %dma_wait3A_286 = arith.constant 0 : i32
          %dma_wait3A_287 = tpu.memref_slice %arg4[%add3A_285, %dma_wait3A_286] : memref<37632x768xf32, #tpu.memory_space<hbm>> -> memref<24x768xf32, #tpu.memory_space<hbm>>
          %dma_wait3A_288 = arith.constant 0 : i32
          %dma_wait3A_289 = tpu.memref_slice %arg4[%add3A_285, %dma_wait3A_288] : memref<37632x768xf32, #tpu.memory_space<hbm>> -> memref<24x768xf32, #tpu.memory_space<hbm>>
          tpu.wait_dma2 semaphore(%arg25 : memref<!tpu.dma_semaphore, #tpu.memory_space<semaphore_mem>>) src(%arg11 : memref<24x768xf32, #tpu.memory_space<vmem>>) dst(%dma_wait3A_289 : memref<24x768xf32, #tpu.memory_space<hbm>>)
        } else {
        }
        %mul3A_274 = arith.constant 24 : i32
        %mul3A_275 = arith.muli %add3A_134, %mul3A_274 : i32
        %dma_start3A_276 = tpu.memref_slice %arg5[%mul3A_275] : memref<1184xi32, #tpu.memory_space<vmem>> -> memref<24xi32, #tpu.memory_space<vmem>>
        %dma_start3A_277 = arith.constant 0 : i32
        %dma_start3A_278 = arith.constant 0 : i32
        %dma_start3A_279 = tpu.memref_slice %arg3[%dma_start3A_277, %dma_start3A_278] : memref<50176x768xf32, #tpu.memory_space<hbm>> -> memref<50176x768xf32, #tpu.memory_space<hbm>>
        tpu.enqueue_indirect_dma source(%dma_start3A_279 : memref<50176x768xf32, #tpu.memory_space<hbm>>) target(%arg11 : memref<24x768xf32, #tpu.memory_space<vmem>>) offsets(%dma_start3A_276 : memref<24xi32, #tpu.memory_space<vmem>>) semaphore(%arg18 : memref<!tpu.dma_semaphore, #tpu.memory_space<semaphore_mem>>)
      } else {
      }
      %mul3A_140 = arith.constant 7 : i32
      %mul3A_141 = arith.muli %scan3A_90, %mul3A_140 : i32
      %add3A_142 = arith.constant 2 : i32
      %add3A_143 = arith.addi %mul3A_141, %add3A_142 : i32
      %mul3A_144 = arith.constant 24 : i32
      %mul3A_145 = arith.muli %add3A_143, %mul3A_144 : i32
      %dma_wait3A_146 = tpu.memref_slice %arg5[%mul3A_145] : memref<1184xi32, #tpu.memory_space<vmem>> -> memref<24xi32, #tpu.memory_space<vmem>>
      %dma_wait3A_147 = arith.constant 0 : i32
      %dma_wait3A_148 = arith.constant 0 : i32
      %dma_wait3A_149 = tpu.memref_slice %arg3[%dma_wait3A_147, %dma_wait3A_148] : memref<50176x768xf32, #tpu.memory_space<hbm>> -> memref<50176x768xf32, #tpu.memory_space<hbm>>
      tpu.wait_indirect_dma semaphore(%arg15 : memref<!tpu.dma_semaphore, #tpu.memory_space<semaphore_mem>>) src(%dma_wait3A_149 : memref<50176x768xf32, #tpu.memory_space<hbm>>) dst(%arg8 : memref<24x768xf32, #tpu.memory_space<vmem>>)
      %mul3A_150 = arith.constant 1176 : i32
      %mul3A_151 = arith.muli %add3A, %mul3A_150 : i32
      %mul3A_152 = arith.constant 24 : i32
      %mul3A_153 = arith.muli %add3A_143, %mul3A_152 : i32
      %add3A_154 = arith.addi %mul3A_151, %mul3A_153 : i32
      %dma_start3A_155 = arith.constant 0 : i32
      %dma_start3A_156 = tpu.memref_slice %arg4[%add3A_154, %dma_start3A_155] : memref<37632x768xf32, #tpu.memory_space<hbm>> -> memref<24x768xf32, #tpu.memory_space<hbm>>
      %dma_start3A_157 = arith.constant 0 : i32
      %dma_start3A_158 = tpu.memref_slice %arg4[%add3A_154, %dma_start3A_157] : memref<37632x768xf32, #tpu.memory_space<hbm>> -> memref<24x768xf32, #tpu.memory_space<hbm>>
      tpu.enqueue_dma source(%arg8 : memref<24x768xf32, #tpu.memory_space<vmem>>) target(%dma_start3A_158 : memref<24x768xf32, #tpu.memory_space<hbm>>) target_semaphore(%arg22 : memref<!tpu.dma_semaphore, #tpu.memory_space<semaphore_mem>>)
      %add3A_159 = arith.constant 4 : i32
      %add3A_160 = arith.addi %add3A_143, %add3A_159 : i32
      %lt3A_161 = arith.constant 49 : i32
      %lt3A_162 = arith.cmpi slt, %add3A_160, %lt3A_161 : i32
      %convert_element_type3A_163 = arith.extui %lt3A_162 : i1 to i32
      %cond3A_164 = arith.constant 0 : i32
      %cond3A_165 = arith.cmpi ne, %convert_element_type3A_163, %cond3A_164 : i32
      scf.if %cond3A_165 {
        %ge3A = arith.constant 7 : i32
        %ge3A_270 = arith.cmpi sge, %add3A_160, %ge3A : i32
        %convert_element_type3A_271 = arith.extui %ge3A_270 : i1 to i32
        %cond3A_272 = arith.constant 0 : i32
        %cond3A_273 = arith.cmpi ne, %convert_element_type3A_271, %cond3A_272 : i32
        scf.if %cond3A_273 {
          %sub3A = arith.constant 7 : i32
          %sub3A_280 = arith.subi %add3A_160, %sub3A : i32
          %mul3A_281 = arith.constant 1176 : i32
          %mul3A_282 = arith.muli %add3A, %mul3A_281 : i32
          %mul3A_283 = arith.constant 24 : i32
          %mul3A_284 = arith.muli %sub3A_280, %mul3A_283 : i32
          %add3A_285 = arith.addi %mul3A_282, %mul3A_284 : i32
          %dma_wait3A_286 = arith.constant 0 : i32
          %dma_wait3A_287 = tpu.memref_slice %arg4[%add3A_285, %dma_wait3A_286] : memref<37632x768xf32, #tpu.memory_space<hbm>> -> memref<24x768xf32, #tpu.memory_space<hbm>>
          %dma_wait3A_288 = arith.constant 0 : i32
          %dma_wait3A_289 = tpu.memref_slice %arg4[%add3A_285, %dma_wait3A_288] : memref<37632x768xf32, #tpu.memory_space<hbm>> -> memref<24x768xf32, #tpu.memory_space<hbm>>
          tpu.wait_dma2 semaphore(%arg26 : memref<!tpu.dma_semaphore, #tpu.memory_space<semaphore_mem>>) src(%arg12 : memref<24x768xf32, #tpu.memory_space<vmem>>) dst(%dma_wait3A_289 : memref<24x768xf32, #tpu.memory_space<hbm>>)
        } else {
        }
        %mul3A_274 = arith.constant 24 : i32
        %mul3A_275 = arith.muli %add3A_160, %mul3A_274 : i32
        %dma_start3A_276 = tpu.memref_slice %arg5[%mul3A_275] : memref<1184xi32, #tpu.memory_space<vmem>> -> memref<24xi32, #tpu.memory_space<vmem>>
        %dma_start3A_277 = arith.constant 0 : i32
        %dma_start3A_278 = arith.constant 0 : i32
        %dma_start3A_279 = tpu.memref_slice %arg3[%dma_start3A_277, %dma_start3A_278] : memref<50176x768xf32, #tpu.memory_space<hbm>> -> memref<50176x768xf32, #tpu.memory_space<hbm>>
        tpu.enqueue_indirect_dma source(%dma_start3A_279 : memref<50176x768xf32, #tpu.memory_space<hbm>>) target(%arg12 : memref<24x768xf32, #tpu.memory_space<vmem>>) offsets(%dma_start3A_276 : memref<24xi32, #tpu.memory_space<vmem>>) semaphore(%arg19 : memref<!tpu.dma_semaphore, #tpu.memory_space<semaphore_mem>>)
      } else {
      }
      %mul3A_166 = arith.constant 7 : i32
      %mul3A_167 = arith.muli %scan3A_90, %mul3A_166 : i32
      %add3A_168 = arith.constant 3 : i32
      %add3A_169 = arith.addi %mul3A_167, %add3A_168 : i32
      %mul3A_170 = arith.constant 24 : i32
      %mul3A_171 = arith.muli %add3A_169, %mul3A_170 : i32
      %dma_wait3A_172 = tpu.memref_slice %arg5[%mul3A_171] : memref<1184xi32, #tpu.memory_space<vmem>> -> memref<24xi32, #tpu.memory_space<vmem>>
      %dma_wait3A_173 = arith.constant 0 : i32
      %dma_wait3A_174 = arith.constant 0 : i32
      %dma_wait3A_175 = tpu.memref_slice %arg3[%dma_wait3A_173, %dma_wait3A_174] : memref<50176x768xf32, #tpu.memory_space<hbm>> -> memref<50176x768xf32, #tpu.memory_space<hbm>>
      tpu.wait_indirect_dma semaphore(%arg16 : memref<!tpu.dma_semaphore, #tpu.memory_space<semaphore_mem>>) src(%dma_wait3A_175 : memref<50176x768xf32, #tpu.memory_space<hbm>>) dst(%arg9 : memref<24x768xf32, #tpu.memory_space<vmem>>)
      %mul3A_176 = arith.constant 1176 : i32
      %mul3A_177 = arith.muli %add3A, %mul3A_176 : i32
      %mul3A_178 = arith.constant 24 : i32
      %mul3A_179 = arith.muli %add3A_169, %mul3A_178 : i32
      %add3A_180 = arith.addi %mul3A_177, %mul3A_179 : i32
      %dma_start3A_181 = arith.constant 0 : i32
      %dma_start3A_182 = tpu.memref_slice %arg4[%add3A_180, %dma_start3A_181] : memref<37632x768xf32, #tpu.memory_space<hbm>> -> memref<24x768xf32, #tpu.memory_space<hbm>>
      %dma_start3A_183 = arith.constant 0 : i32
      %dma_start3A_184 = tpu.memref_slice %arg4[%add3A_180, %dma_start3A_183] : memref<37632x768xf32, #tpu.memory_space<hbm>> -> memref<24x768xf32, #tpu.memory_space<hbm>>
      tpu.enqueue_dma source(%arg9 : memref<24x768xf32, #tpu.memory_space<vmem>>) target(%dma_start3A_184 : memref<24x768xf32, #tpu.memory_space<hbm>>) target_semaphore(%arg23 : memref<!tpu.dma_semaphore, #tpu.memory_space<semaphore_mem>>)
      %add3A_185 = arith.constant 4 : i32
      %add3A_186 = arith.addi %add3A_169, %add3A_185 : i32
      %lt3A_187 = arith.constant 49 : i32
      %lt3A_188 = arith.cmpi slt, %add3A_186, %lt3A_187 : i32
      %convert_element_type3A_189 = arith.extui %lt3A_188 : i1 to i32
      %cond3A_190 = arith.constant 0 : i32
      %cond3A_191 = arith.cmpi ne, %convert_element_type3A_189, %cond3A_190 : i32
      scf.if %cond3A_191 {
        %ge3A = arith.constant 7 : i32
        %ge3A_270 = arith.cmpi sge, %add3A_186, %ge3A : i32
        %convert_element_type3A_271 = arith.extui %ge3A_270 : i1 to i32
        %cond3A_272 = arith.constant 0 : i32
        %cond3A_273 = arith.cmpi ne, %convert_element_type3A_271, %cond3A_272 : i32
        scf.if %cond3A_273 {
          %sub3A = arith.constant 7 : i32
          %sub3A_280 = arith.subi %add3A_186, %sub3A : i32
          %mul3A_281 = arith.constant 1176 : i32
          %mul3A_282 = arith.muli %add3A, %mul3A_281 : i32
          %mul3A_283 = arith.constant 24 : i32
          %mul3A_284 = arith.muli %sub3A_280, %mul3A_283 : i32
          %add3A_285 = arith.addi %mul3A_282, %mul3A_284 : i32
          %dma_wait3A_286 = arith.constant 0 : i32
          %dma_wait3A_287 = tpu.memref_slice %arg4[%add3A_285, %dma_wait3A_286] : memref<37632x768xf32, #tpu.memory_space<hbm>> -> memref<24x768xf32, #tpu.memory_space<hbm>>
          %dma_wait3A_288 = arith.constant 0 : i32
          %dma_wait3A_289 = tpu.memref_slice %arg4[%add3A_285, %dma_wait3A_288] : memref<37632x768xf32, #tpu.memory_space<hbm>> -> memref<24x768xf32, #tpu.memory_space<hbm>>
          tpu.wait_dma2 semaphore(%arg20 : memref<!tpu.dma_semaphore, #tpu.memory_space<semaphore_mem>>) src(%arg6 : memref<24x768xf32, #tpu.memory_space<vmem>>) dst(%dma_wait3A_289 : memref<24x768xf32, #tpu.memory_space<hbm>>)
        } else {
        }
        %mul3A_274 = arith.constant 24 : i32
        %mul3A_275 = arith.muli %add3A_186, %mul3A_274 : i32
        %dma_start3A_276 = tpu.memref_slice %arg5[%mul3A_275] : memref<1184xi32, #tpu.memory_space<vmem>> -> memref<24xi32, #tpu.memory_space<vmem>>
        %dma_start3A_277 = arith.constant 0 : i32
        %dma_start3A_278 = arith.constant 0 : i32
        %dma_start3A_279 = tpu.memref_slice %arg3[%dma_start3A_277, %dma_start3A_278] : memref<50176x768xf32, #tpu.memory_space<hbm>> -> memref<50176x768xf32, #tpu.memory_space<hbm>>
        tpu.enqueue_indirect_dma source(%dma_start3A_279 : memref<50176x768xf32, #tpu.memory_space<hbm>>) target(%arg6 : memref<24x768xf32, #tpu.memory_space<vmem>>) offsets(%dma_start3A_276 : memref<24xi32, #tpu.memory_space<vmem>>) semaphore(%arg13 : memref<!tpu.dma_semaphore, #tpu.memory_space<semaphore_mem>>)
      } else {
      }
      %mul3A_192 = arith.constant 7 : i32
      %mul3A_193 = arith.muli %scan3A_90, %mul3A_192 : i32
      %add3A_194 = arith.constant 4 : i32
      %add3A_195 = arith.addi %mul3A_193, %add3A_194 : i32
      %mul3A_196 = arith.constant 24 : i32
      %mul3A_197 = arith.muli %add3A_195, %mul3A_196 : i32
      %dma_wait3A_198 = tpu.memref_slice %arg5[%mul3A_197] : memref<1184xi32, #tpu.memory_space<vmem>> -> memref<24xi32, #tpu.memory_space<vmem>>
      %dma_wait3A_199 = arith.constant 0 : i32
      %dma_wait3A_200 = arith.constant 0 : i32
      %dma_wait3A_201 = tpu.memref_slice %arg3[%dma_wait3A_199, %dma_wait3A_200] : memref<50176x768xf32, #tpu.memory_space<hbm>> -> memref<50176x768xf32, #tpu.memory_space<hbm>>
      tpu.wait_indirect_dma semaphore(%arg17 : memref<!tpu.dma_semaphore, #tpu.memory_space<semaphore_mem>>) src(%dma_wait3A_201 : memref<50176x768xf32, #tpu.memory_space<hbm>>) dst(%arg10 : memref<24x768xf32, #tpu.memory_space<vmem>>)
      %mul3A_202 = arith.constant 1176 : i32
      %mul3A_203 = arith.muli %add3A, %mul3A_202 : i32
      %mul3A_204 = arith.constant 24 : i32
      %mul3A_205 = arith.muli %add3A_195, %mul3A_204 : i32
      %add3A_206 = arith.addi %mul3A_203, %mul3A_205 : i32
      %dma_start3A_207 = arith.constant 0 : i32
      %dma_start3A_208 = tpu.memref_slice %arg4[%add3A_206, %dma_start3A_207] : memref<37632x768xf32, #tpu.memory_space<hbm>> -> memref<24x768xf32, #tpu.memory_space<hbm>>
      %dma_start3A_209 = arith.constant 0 : i32
      %dma_start3A_210 = tpu.memref_slice %arg4[%add3A_206, %dma_start3A_209] : memref<37632x768xf32, #tpu.memory_space<hbm>> -> memref<24x768xf32, #tpu.memory_space<hbm>>
      tpu.enqueue_dma source(%arg10 : memref<24x768xf32, #tpu.memory_space<vmem>>) target(%dma_start3A_210 : memref<24x768xf32, #tpu.memory_space<hbm>>) target_semaphore(%arg24 : memref<!tpu.dma_semaphore, #tpu.memory_space<semaphore_mem>>)
      %add3A_211 = arith.constant 4 : i32
      %add3A_212 = arith.addi %add3A_195, %add3A_211 : i32
      %lt3A_213 = arith.constant 49 : i32
      %lt3A_214 = arith.cmpi slt, %add3A_212, %lt3A_213 : i32
      %convert_element_type3A_215 = arith.extui %lt3A_214 : i1 to i32
      %cond3A_216 = arith.constant 0 : i32
      %cond3A_217 = arith.cmpi ne, %convert_element_type3A_215, %cond3A_216 : i32
      scf.if %cond3A_217 {
        %ge3A = arith.constant 7 : i32
        %ge3A_270 = arith.cmpi sge, %add3A_212, %ge3A : i32
        %convert_element_type3A_271 = arith.extui %ge3A_270 : i1 to i32
        %cond3A_272 = arith.constant 0 : i32
        %cond3A_273 = arith.cmpi ne, %convert_element_type3A_271, %cond3A_272 : i32
        scf.if %cond3A_273 {
          %sub3A = arith.constant 7 : i32
          %sub3A_280 = arith.subi %add3A_212, %sub3A : i32
          %mul3A_281 = arith.constant 1176 : i32
          %mul3A_282 = arith.muli %add3A, %mul3A_281 : i32
          %mul3A_283 = arith.constant 24 : i32
          %mul3A_284 = arith.muli %sub3A_280, %mul3A_283 : i32
          %add3A_285 = arith.addi %mul3A_282, %mul3A_284 : i32
          %dma_wait3A_286 = arith.constant 0 : i32
          %dma_wait3A_287 = tpu.memref_slice %arg4[%add3A_285, %dma_wait3A_286] : memref<37632x768xf32, #tpu.memory_space<hbm>> -> memref<24x768xf32, #tpu.memory_space<hbm>>
          %dma_wait3A_288 = arith.constant 0 : i32
          %dma_wait3A_289 = tpu.memref_slice %arg4[%add3A_285, %dma_wait3A_288] : memref<37632x768xf32, #tpu.memory_space<hbm>> -> memref<24x768xf32, #tpu.memory_space<hbm>>
          tpu.wait_dma2 semaphore(%arg21 : memref<!tpu.dma_semaphore, #tpu.memory_space<semaphore_mem>>) src(%arg7 : memref<24x768xf32, #tpu.memory_space<vmem>>) dst(%dma_wait3A_289 : memref<24x768xf32, #tpu.memory_space<hbm>>)
        } else {
        }
        %mul3A_274 = arith.constant 24 : i32
        %mul3A_275 = arith.muli %add3A_212, %mul3A_274 : i32
        %dma_start3A_276 = tpu.memref_slice %arg5[%mul3A_275] : memref<1184xi32, #tpu.memory_space<vmem>> -> memref<24xi32, #tpu.memory_space<vmem>>
        %dma_start3A_277 = arith.constant 0 : i32
        %dma_start3A_278 = arith.constant 0 : i32
        %dma_start3A_279 = tpu.memref_slice %arg3[%dma_start3A_277, %dma_start3A_278] : memref<50176x768xf32, #tpu.memory_space<hbm>> -> memref<50176x768xf32, #tpu.memory_space<hbm>>
        tpu.enqueue_indirect_dma source(%dma_start3A_279 : memref<50176x768xf32, #tpu.memory_space<hbm>>) target(%arg7 : memref<24x768xf32, #tpu.memory_space<vmem>>) offsets(%dma_start3A_276 : memref<24xi32, #tpu.memory_space<vmem>>) semaphore(%arg14 : memref<!tpu.dma_semaphore, #tpu.memory_space<semaphore_mem>>)
      } else {
      }
      %mul3A_218 = arith.constant 7 : i32
      %mul3A_219 = arith.muli %scan3A_90, %mul3A_218 : i32
      %add3A_220 = arith.constant 5 : i32
      %add3A_221 = arith.addi %mul3A_219, %add3A_220 : i32
      %mul3A_222 = arith.constant 24 : i32
      %mul3A_223 = arith.muli %add3A_221, %mul3A_222 : i32
      %dma_wait3A_224 = tpu.memref_slice %arg5[%mul3A_223] : memref<1184xi32, #tpu.memory_space<vmem>> -> memref<24xi32, #tpu.memory_space<vmem>>
      %dma_wait3A_225 = arith.constant 0 : i32
      %dma_wait3A_226 = arith.constant 0 : i32
      %dma_wait3A_227 = tpu.memref_slice %arg3[%dma_wait3A_225, %dma_wait3A_226] : memref<50176x768xf32, #tpu.memory_space<hbm>> -> memref<50176x768xf32, #tpu.memory_space<hbm>>
      tpu.wait_indirect_dma semaphore(%arg18 : memref<!tpu.dma_semaphore, #tpu.memory_space<semaphore_mem>>) src(%dma_wait3A_227 : memref<50176x768xf32, #tpu.memory_space<hbm>>) dst(%arg11 : memref<24x768xf32, #tpu.memory_space<vmem>>)
      %mul3A_228 = arith.constant 1176 : i32
      %mul3A_229 = arith.muli %add3A, %mul3A_228 : i32
      %mul3A_230 = arith.constant 24 : i32
      %mul3A_231 = arith.muli %add3A_221, %mul3A_230 : i32
      %add3A_232 = arith.addi %mul3A_229, %mul3A_231 : i32
      %dma_start3A_233 = arith.constant 0 : i32
      %dma_start3A_234 = tpu.memref_slice %arg4[%add3A_232, %dma_start3A_233] : memref<37632x768xf32, #tpu.memory_space<hbm>> -> memref<24x768xf32, #tpu.memory_space<hbm>>
      %dma_start3A_235 = arith.constant 0 : i32
      %dma_start3A_236 = tpu.memref_slice %arg4[%add3A_232, %dma_start3A_235] : memref<37632x768xf32, #tpu.memory_space<hbm>> -> memref<24x768xf32, #tpu.memory_space<hbm>>
      tpu.enqueue_dma source(%arg11 : memref<24x768xf32, #tpu.memory_space<vmem>>) target(%dma_start3A_236 : memref<24x768xf32, #tpu.memory_space<hbm>>) target_semaphore(%arg25 : memref<!tpu.dma_semaphore, #tpu.memory_space<semaphore_mem>>)
      %add3A_237 = arith.constant 4 : i32
      %add3A_238 = arith.addi %add3A_221, %add3A_237 : i32
      %lt3A_239 = arith.constant 49 : i32
      %lt3A_240 = arith.cmpi slt, %add3A_238, %lt3A_239 : i32
      %convert_element_type3A_241 = arith.extui %lt3A_240 : i1 to i32
      %cond3A_242 = arith.constant 0 : i32
      %cond3A_243 = arith.cmpi ne, %convert_element_type3A_241, %cond3A_242 : i32
      scf.if %cond3A_243 {
        %ge3A = arith.constant 7 : i32
        %ge3A_270 = arith.cmpi sge, %add3A_238, %ge3A : i32
        %convert_element_type3A_271 = arith.extui %ge3A_270 : i1 to i32
        %cond3A_272 = arith.constant 0 : i32
        %cond3A_273 = arith.cmpi ne, %convert_element_type3A_271, %cond3A_272 : i32
        scf.if %cond3A_273 {
          %sub3A = arith.constant 7 : i32
          %sub3A_280 = arith.subi %add3A_238, %sub3A : i32
          %mul3A_281 = arith.constant 1176 : i32
          %mul3A_282 = arith.muli %add3A, %mul3A_281 : i32
          %mul3A_283 = arith.constant 24 : i32
          %mul3A_284 = arith.muli %sub3A_280, %mul3A_283 : i32
          %add3A_285 = arith.addi %mul3A_282, %mul3A_284 : i32
          %dma_wait3A_286 = arith.constant 0 : i32
          %dma_wait3A_287 = tpu.memref_slice %arg4[%add3A_285, %dma_wait3A_286] : memref<37632x768xf32, #tpu.memory_space<hbm>> -> memref<24x768xf32, #tpu.memory_space<hbm>>
          %dma_wait3A_288 = arith.constant 0 : i32
          %dma_wait3A_289 = tpu.memref_slice %arg4[%add3A_285, %dma_wait3A_288] : memref<37632x768xf32, #tpu.memory_space<hbm>> -> memref<24x768xf32, #tpu.memory_space<hbm>>
          tpu.wait_dma2 semaphore(%arg22 : memref<!tpu.dma_semaphore, #tpu.memory_space<semaphore_mem>>) src(%arg8 : memref<24x768xf32, #tpu.memory_space<vmem>>) dst(%dma_wait3A_289 : memref<24x768xf32, #tpu.memory_space<hbm>>)
        } else {
        }
        %mul3A_274 = arith.constant 24 : i32
        %mul3A_275 = arith.muli %add3A_238, %mul3A_274 : i32
        %dma_start3A_276 = tpu.memref_slice %arg5[%mul3A_275] : memref<1184xi32, #tpu.memory_space<vmem>> -> memref<24xi32, #tpu.memory_space<vmem>>
        %dma_start3A_277 = arith.constant 0 : i32
        %dma_start3A_278 = arith.constant 0 : i32
        %dma_start3A_279 = tpu.memref_slice %arg3[%dma_start3A_277, %dma_start3A_278] : memref<50176x768xf32, #tpu.memory_space<hbm>> -> memref<50176x768xf32, #tpu.memory_space<hbm>>
        tpu.enqueue_indirect_dma source(%dma_start3A_279 : memref<50176x768xf32, #tpu.memory_space<hbm>>) target(%arg8 : memref<24x768xf32, #tpu.memory_space<vmem>>) offsets(%dma_start3A_276 : memref<24xi32, #tpu.memory_space<vmem>>) semaphore(%arg15 : memref<!tpu.dma_semaphore, #tpu.memory_space<semaphore_mem>>)
      } else {
      }
      %mul3A_244 = arith.constant 7 : i32
      %mul3A_245 = arith.muli %scan3A_90, %mul3A_244 : i32
      %add3A_246 = arith.constant 6 : i32
      %add3A_247 = arith.addi %mul3A_245, %add3A_246 : i32
      %mul3A_248 = arith.constant 24 : i32
      %mul3A_249 = arith.muli %add3A_247, %mul3A_248 : i32
      %dma_wait3A_250 = tpu.memref_slice %arg5[%mul3A_249] : memref<1184xi32, #tpu.memory_space<vmem>> -> memref<24xi32, #tpu.memory_space<vmem>>
      %dma_wait3A_251 = arith.constant 0 : i32
      %dma_wait3A_252 = arith.constant 0 : i32
      %dma_wait3A_253 = tpu.memref_slice %arg3[%dma_wait3A_251, %dma_wait3A_252] : memref<50176x768xf32, #tpu.memory_space<hbm>> -> memref<50176x768xf32, #tpu.memory_space<hbm>>
      tpu.wait_indirect_dma semaphore(%arg19 : memref<!tpu.dma_semaphore, #tpu.memory_space<semaphore_mem>>) src(%dma_wait3A_253 : memref<50176x768xf32, #tpu.memory_space<hbm>>) dst(%arg12 : memref<24x768xf32, #tpu.memory_space<vmem>>)
      %mul3A_254 = arith.constant 1176 : i32
      %mul3A_255 = arith.muli %add3A, %mul3A_254 : i32
      %mul3A_256 = arith.constant 24 : i32
      %mul3A_257 = arith.muli %add3A_247, %mul3A_256 : i32
      %add3A_258 = arith.addi %mul3A_255, %mul3A_257 : i32
      %dma_start3A_259 = arith.constant 0 : i32
      %dma_start3A_260 = tpu.memref_slice %arg4[%add3A_258, %dma_start3A_259] : memref<37632x768xf32, #tpu.memory_space<hbm>> -> memref<24x768xf32, #tpu.memory_space<hbm>>
      %dma_start3A_261 = arith.constant 0 : i32
      %dma_start3A_262 = tpu.memref_slice %arg4[%add3A_258, %dma_start3A_261] : memref<37632x768xf32, #tpu.memory_space<hbm>> -> memref<24x768xf32, #tpu.memory_space<hbm>>
      tpu.enqueue_dma source(%arg12 : memref<24x768xf32, #tpu.memory_space<vmem>>) target(%dma_start3A_262 : memref<24x768xf32, #tpu.memory_space<hbm>>) target_semaphore(%arg26 : memref<!tpu.dma_semaphore, #tpu.memory_space<semaphore_mem>>)
      %add3A_263 = arith.constant 4 : i32
      %add3A_264 = arith.addi %add3A_247, %add3A_263 : i32
      %lt3A_265 = arith.constant 49 : i32
      %lt3A_266 = arith.cmpi slt, %add3A_264, %lt3A_265 : i32
      %convert_element_type3A_267 = arith.extui %lt3A_266 : i1 to i32
      %cond3A_268 = arith.constant 0 : i32
      %cond3A_269 = arith.cmpi ne, %convert_element_type3A_267, %cond3A_268 : i32
      scf.if %cond3A_269 {
        %ge3A = arith.constant 7 : i32
        %ge3A_270 = arith.cmpi sge, %add3A_264, %ge3A : i32
        %convert_element_type3A_271 = arith.extui %ge3A_270 : i1 to i32
        %cond3A_272 = arith.constant 0 : i32
        %cond3A_273 = arith.cmpi ne, %convert_element_type3A_271, %cond3A_272 : i32
        scf.if %cond3A_273 {
          %sub3A = arith.constant 7 : i32
          %sub3A_280 = arith.subi %add3A_264, %sub3A : i32
          %mul3A_281 = arith.constant 1176 : i32
          %mul3A_282 = arith.muli %add3A, %mul3A_281 : i32
          %mul3A_283 = arith.constant 24 : i32
          %mul3A_284 = arith.muli %sub3A_280, %mul3A_283 : i32
          %add3A_285 = arith.addi %mul3A_282, %mul3A_284 : i32
          %dma_wait3A_286 = arith.constant 0 : i32
          %dma_wait3A_287 = tpu.memref_slice %arg4[%add3A_285, %dma_wait3A_286] : memref<37632x768xf32, #tpu.memory_space<hbm>> -> memref<24x768xf32, #tpu.memory_space<hbm>>
          %dma_wait3A_288 = arith.constant 0 : i32
          %dma_wait3A_289 = tpu.memref_slice %arg4[%add3A_285, %dma_wait3A_288] : memref<37632x768xf32, #tpu.memory_space<hbm>> -> memref<24x768xf32, #tpu.memory_space<hbm>>
          tpu.wait_dma2 semaphore(%arg23 : memref<!tpu.dma_semaphore, #tpu.memory_space<semaphore_mem>>) src(%arg9 : memref<24x768xf32, #tpu.memory_space<vmem>>) dst(%dma_wait3A_289 : memref<24x768xf32, #tpu.memory_space<hbm>>)
        } else {
        }
        %mul3A_274 = arith.constant 24 : i32
        %mul3A_275 = arith.muli %add3A_264, %mul3A_274 : i32
        %dma_start3A_276 = tpu.memref_slice %arg5[%mul3A_275] : memref<1184xi32, #tpu.memory_space<vmem>> -> memref<24xi32, #tpu.memory_space<vmem>>
        %dma_start3A_277 = arith.constant 0 : i32
        %dma_start3A_278 = arith.constant 0 : i32
        %dma_start3A_279 = tpu.memref_slice %arg3[%dma_start3A_277, %dma_start3A_278] : memref<50176x768xf32, #tpu.memory_space<hbm>> -> memref<50176x768xf32, #tpu.memory_space<hbm>>
        tpu.enqueue_indirect_dma source(%dma_start3A_279 : memref<50176x768xf32, #tpu.memory_space<hbm>>) target(%arg9 : memref<24x768xf32, #tpu.memory_space<vmem>>) offsets(%dma_start3A_276 : memref<24xi32, #tpu.memory_space<vmem>>) semaphore(%arg16 : memref<!tpu.dma_semaphore, #tpu.memory_space<semaphore_mem>>)
      } else {
      }
    }
    %scan3A_34 = arith.constant 7 : i32
    %mul3A_35 = arith.constant 1176 : i32
    %mul3A_36 = arith.muli %add3A, %mul3A_35 : i32
    %add3A_37 = arith.constant 1008 : i32
    %add3A_38 = arith.addi %mul3A_36, %add3A_37 : i32
    %dma_wait3A = arith.constant 0 : i32
    %dma_wait3A_39 = tpu.memref_slice %arg4[%add3A_38, %dma_wait3A] : memref<37632x768xf32, #tpu.memory_space<hbm>> -> memref<24x768xf32, #tpu.memory_space<hbm>>
    %dma_wait3A_40 = arith.constant 0 : i32
    %dma_wait3A_41 = tpu.memref_slice %arg4[%add3A_38, %dma_wait3A_40] : memref<37632x768xf32, #tpu.memory_space<hbm>> -> memref<24x768xf32, #tpu.memory_space<hbm>>
    tpu.wait_dma2 semaphore(%arg20 : memref<!tpu.dma_semaphore, #tpu.memory_space<semaphore_mem>>) src(%arg6 : memref<24x768xf32, #tpu.memory_space<vmem>>) dst(%dma_wait3A_41 : memref<24x768xf32, #tpu.memory_space<hbm>>)
    %mul3A_42 = arith.constant 1176 : i32
    %mul3A_43 = arith.muli %add3A, %mul3A_42 : i32
    %add3A_44 = arith.constant 1032 : i32
    %add3A_45 = arith.addi %mul3A_43, %add3A_44 : i32
    %dma_wait3A_46 = arith.constant 0 : i32
    %dma_wait3A_47 = tpu.memref_slice %arg4[%add3A_45, %dma_wait3A_46] : memref<37632x768xf32, #tpu.memory_space<hbm>> -> memref<24x768xf32, #tpu.memory_space<hbm>>
    %dma_wait3A_48 = arith.constant 0 : i32
    %dma_wait3A_49 = tpu.memref_slice %arg4[%add3A_45, %dma_wait3A_48] : memref<37632x768xf32, #tpu.memory_space<hbm>> -> memref<24x768xf32, #tpu.memory_space<hbm>>
    tpu.wait_dma2 semaphore(%arg21 : memref<!tpu.dma_semaphore, #tpu.memory_space<semaphore_mem>>) src(%arg7 : memref<24x768xf32, #tpu.memory_space<vmem>>) dst(%dma_wait3A_49 : memref<24x768xf32, #tpu.memory_space<hbm>>)
    %mul3A_50 = arith.constant 1176 : i32
    %mul3A_51 = arith.muli %add3A, %mul3A_50 : i32
    %add3A_52 = arith.constant 1056 : i32
    %add3A_53 = arith.addi %mul3A_51, %add3A_52 : i32
    %dma_wait3A_54 = arith.constant 0 : i32
    %dma_wait3A_55 = tpu.memref_slice %arg4[%add3A_53, %dma_wait3A_54] : memref<37632x768xf32, #tpu.memory_space<hbm>> -> memref<24x768xf32, #tpu.memory_space<hbm>>
    %dma_wait3A_56 = arith.constant 0 : i32
    %dma_wait3A_57 = tpu.memref_slice %arg4[%add3A_53, %dma_wait3A_56] : memref<37632x768xf32, #tpu.memory_space<hbm>> -> memref<24x768xf32, #tpu.memory_space<hbm>>
    tpu.wait_dma2 semaphore(%arg22 : memref<!tpu.dma_semaphore, #tpu.memory_space<semaphore_mem>>) src(%arg8 : memref<24x768xf32, #tpu.memory_space<vmem>>) dst(%dma_wait3A_57 : memref<24x768xf32, #tpu.memory_space<hbm>>)
    %mul3A_58 = arith.constant 1176 : i32
    %mul3A_59 = arith.muli %add3A, %mul3A_58 : i32
    %add3A_60 = arith.constant 1080 : i32
    %add3A_61 = arith.addi %mul3A_59, %add3A_60 : i32
    %dma_wait3A_62 = arith.constant 0 : i32
    %dma_wait3A_63 = tpu.memref_slice %arg4[%add3A_61, %dma_wait3A_62] : memref<37632x768xf32, #tpu.memory_space<hbm>> -> memref<24x768xf32, #tpu.memory_space<hbm>>
    %dma_wait3A_64 = arith.constant 0 : i32
    %dma_wait3A_65 = tpu.memref_slice %arg4[%add3A_61, %dma_wait3A_64] : memref<37632x768xf32, #tpu.memory_space<hbm>> -> memref<24x768xf32, #tpu.memory_space<hbm>>
    tpu.wait_dma2 semaphore(%arg23 : memref<!tpu.dma_semaphore, #tpu.memory_space<semaphore_mem>>) src(%arg9 : memref<24x768xf32, #tpu.memory_space<vmem>>) dst(%dma_wait3A_65 : memref<24x768xf32, #tpu.memory_space<hbm>>)
    %mul3A_66 = arith.constant 1176 : i32
    %mul3A_67 = arith.muli %add3A, %mul3A_66 : i32
    %add3A_68 = arith.constant 1104 : i32
    %add3A_69 = arith.addi %mul3A_67, %add3A_68 : i32
    %dma_wait3A_70 = arith.constant 0 : i32
    %dma_wait3A_71 = tpu.memref_slice %arg4[%add3A_69, %dma_wait3A_70] : memref<37632x768xf32, #tpu.memory_space<hbm>> -> memref<24x768xf32, #tpu.memory_space<hbm>>
    %dma_wait3A_72 = arith.constant 0 : i32
    %dma_wait3A_73 = tpu.memref_slice %arg4[%add3A_69, %dma_wait3A_72] : memref<37632x768xf32, #tpu.memory_space<hbm>> -> memref<24x768xf32, #tpu.memory_space<hbm>>
    tpu.wait_dma2 semaphore(%arg24 : memref<!tpu.dma_semaphore, #tpu.memory_space<semaphore_mem>>) src(%arg10 : memref<24x768xf32, #tpu.memory_space<vmem>>) dst(%dma_wait3A_73 : memref<24x768xf32, #tpu.memory_space<hbm>>)
    %mul3A_74 = arith.constant 1176 : i32
    %mul3A_75 = arith.muli %add3A, %mul3A_74 : i32
    %add3A_76 = arith.constant 1128 : i32
    %add3A_77 = arith.addi %mul3A_75, %add3A_76 : i32
    %dma_wait3A_78 = arith.constant 0 : i32
    %dma_wait3A_79 = tpu.memref_slice %arg4[%add3A_77, %dma_wait3A_78] : memref<37632x768xf32, #tpu.memory_space<hbm>> -> memref<24x768xf32, #tpu.memory_space<hbm>>
    %dma_wait3A_80 = arith.constant 0 : i32
    %dma_wait3A_81 = tpu.memref_slice %arg4[%add3A_77, %dma_wait3A_80] : memref<37632x768xf32, #tpu.memory_space<hbm>> -> memref<24x768xf32, #tpu.memory_space<hbm>>
    tpu.wait_dma2 semaphore(%arg25 : memref<!tpu.dma_semaphore, #tpu.memory_space<semaphore_mem>>) src(%arg11 : memref<24x768xf32, #tpu.memory_space<vmem>>) dst(%dma_wait3A_81 : memref<24x768xf32, #tpu.memory_space<hbm>>)
    %mul3A_82 = arith.constant 1176 : i32
    %mul3A_83 = arith.muli %add3A, %mul3A_82 : i32
    %add3A_84 = arith.constant 1152 : i32
    %add3A_85 = arith.addi %mul3A_83, %add3A_84 : i32
    %dma_wait3A_86 = arith.constant 0 : i32
    %dma_wait3A_87 = tpu.memref_slice %arg4[%add3A_85, %dma_wait3A_86] : memref<37632x768xf32, #tpu.memory_space<hbm>> -> memref<24x768xf32, #tpu.memory_space<hbm>>
    %dma_wait3A_88 = arith.constant 0 : i32
    %dma_wait3A_89 = tpu.memref_slice %arg4[%add3A_85, %dma_wait3A_88] : memref<37632x768xf32, #tpu.memory_space<hbm>> -> memref<24x768xf32, #tpu.memory_space<hbm>>
    tpu.wait_dma2 semaphore(%arg26 : memref<!tpu.dma_semaphore, #tpu.memory_space<semaphore_mem>>) src(%arg12 : memref<24x768xf32, #tpu.memory_space<vmem>>) dst(%dma_wait3A_89 : memref<24x768xf32, #tpu.memory_space<hbm>>)
    return
  }
}

module attributes {stable_mosaic.version = 14 : i64} {
  func.func @_tc_body(%arg0: i32, %arg1: memref<1x16x196xi32, #tpu.memory_space<vmem>>, %arg2: memref<196x16x768xf32, #tpu.memory_space<vmem>>, %arg3: memref<49x16x768xf32, #tpu.memory_space<vmem>>) attributes {dimension_semantics = [#tpu.dimension_semantics<arbitrary>], iteration_bounds = array<i64: 16>, scalar_prefetch = 0 : i64, scratch_operands = 0 : i64, tpu.core_type = #tpu.core_type<tc>, window_params = [{transform_indices = @transform_0, window_bounds = array<i64: 1, 16, 196>}, {transform_indices = @transform_1, window_bounds = array<i64: 196, 16, 768>}, {transform_indices = @transform_2, window_bounds = array<i64: 49, 16, 768>}]} {
    %get3A = arith.constant 0 : index
    %get3A_0 = arith.constant 0 : index
    %get3A_1 = arith.constant 0 : index
    %get3A_2 = vector.load %arg1[%get3A, %get3A_0, %get3A_1] : memref<1x16x196xi32, #tpu.memory_space<vmem>>, vector<1x1x196xi32>
    %get3A_3 = vector.shape_cast %get3A_2 : vector<1x1x196xi32> to vector<196xi32>
    %get3A_4 = arith.constant 0 : index
    %get3A_5 = arith.constant 0 : index
    %get3A_6 = arith.constant 0 : index
    %get3A_7 = vector.load %arg2[%get3A_4, %get3A_5, %get3A_6] : memref<196x16x768xf32, #tpu.memory_space<vmem>>, vector<196x1x768xf32>
    %get3A_8 = vector.shape_cast %get3A_7 : vector<196x1x768xf32> to vector<196x768xf32>
    %slice3A = vector.extract_strided_slice %get3A_3 {offsets = [0], sizes = [49], strides = [1]} : vector<196xi32> to vector<49xi32>
    %broadcast_in_dim3A = vector.shape_cast %slice3A : vector<49xi32> to vector<49x1xi32>
    %iota3A = tpu.iota {dimensions = array<i32: 1>} : vector<49x196xi32>
    %eq3A = vector.broadcast %broadcast_in_dim3A : vector<49x1xi32> to vector<49x196xi32>
    %eq3A_9 = arith.cmpi eq, %eq3A, %iota3A : vector<49x196xi32>
    %convert_element_type3A = arith.extui %eq3A_9 : vector<49x196xi1> to vector<49x196xi32>
    %convert_element_type3A_10 = arith.sitofp %convert_element_type3A : vector<49x196xi32> to vector<49x196xf32>
    %dot_general3A = arith.constant dense<0.000000e+00> : vector<49x768xf32>
    %dot_general3A_11 = tpu.matmul %convert_element_type3A_10, %get3A_8, %dot_general3A {dimension_numbers = #tpu.dot_dimension_numbers<[1], [0], [0], [1], [0, 0, 1, 1], [], []>, transpose_lhs_hint = false} : vector<49x196xf32>, vector<196x768xf32>, vector<49x768xf32> -> vector<49x768xf32>
    %swap3A = arith.constant 0 : index
    %swap3A_12 = arith.constant 0 : index
    %swap3A_13 = arith.constant 0 : index
    %swap3A_14 = vector.load %arg3[%swap3A, %swap3A_12, %swap3A_13] : memref<49x16x768xf32, #tpu.memory_space<vmem>>, vector<49x1x768xf32>
    %swap3A_15 = vector.shape_cast %swap3A_14 : vector<49x1x768xf32> to vector<49x768xf32>
    %swap3A_16 = vector.shape_cast %dot_general3A_11 : vector<49x768xf32> to vector<49x1x768xf32>
    tpu.vector_store %arg3[%swap3A, %swap3A_12, %swap3A_13], %swap3A_16 {strides = array<i32>} : memref<49x16x768xf32, #tpu.memory_space<vmem>>, vector<49x1x768xf32>,
    %get3A_17 = arith.constant 0 : index
    %get3A_18 = arith.constant 1 : index
    %get3A_19 = arith.constant 0 : index
    %get3A_20 = vector.load %arg1[%get3A_17, %get3A_18, %get3A_19] : memref<1x16x196xi32, #tpu.memory_space<vmem>>, vector<1x1x196xi32>
    %get3A_21 = vector.shape_cast %get3A_20 : vector<1x1x196xi32> to vector<196xi32>
    %get3A_22 = arith.constant 0 : index
    %get3A_23 = arith.constant 1 : index
    %get3A_24 = arith.constant 0 : index
    %get3A_25 = vector.load %arg2[%get3A_22, %get3A_23, %get3A_24] : memref<196x16x768xf32, #tpu.memory_space<vmem>>, vector<196x1x768xf32>
    %get3A_26 = vector.shape_cast %get3A_25 : vector<196x1x768xf32> to vector<196x768xf32>
    %slice3A_27 = vector.extract_strided_slice %get3A_21 {offsets = [0], sizes = [49], strides = [1]} : vector<196xi32> to vector<49xi32>
    %broadcast_in_dim3A_28 = vector.shape_cast %slice3A_27 : vector<49xi32> to vector<49x1xi32>
    %iota3A_29 = tpu.iota {dimensions = array<i32: 1>} : vector<49x196xi32>
    %eq3A_30 = vector.broadcast %broadcast_in_dim3A_28 : vector<49x1xi32> to vector<49x196xi32>
    %eq3A_31 = arith.cmpi eq, %eq3A_30, %iota3A_29 : vector<49x196xi32>
    %convert_element_type3A_32 = arith.extui %eq3A_31 : vector<49x196xi1> to vector<49x196xi32>
    %convert_element_type3A_33 = arith.sitofp %convert_element_type3A_32 : vector<49x196xi32> to vector<49x196xf32>
    %dot_general3A_34 = arith.constant dense<0.000000e+00> : vector<49x768xf32>
    %dot_general3A_35 = tpu.matmul %convert_element_type3A_33, %get3A_26, %dot_general3A_34 {dimension_numbers = #tpu.dot_dimension_numbers<[1], [0], [0], [1], [0, 0, 1, 1], [], []>, transpose_lhs_hint = false} : vector<49x196xf32>, vector<196x768xf32>, vector<49x768xf32> -> vector<49x768xf32>
    %swap3A_36 = arith.constant 0 : index
    %swap3A_37 = arith.constant 1 : index
    %swap3A_38 = arith.constant 0 : index
    %swap3A_39 = vector.load %arg3[%swap3A_36, %swap3A_37, %swap3A_38] : memref<49x16x768xf32, #tpu.memory_space<vmem>>, vector<49x1x768xf32>
    %swap3A_40 = vector.shape_cast %swap3A_39 : vector<49x1x768xf32> to vector<49x768xf32>
    %swap3A_41 = vector.shape_cast %dot_general3A_35 : vector<49x768xf32> to vector<49x1x768xf32>
    tpu.vector_store %arg3[%swap3A_36, %swap3A_37, %swap3A_38], %swap3A_41 {strides = array<i32>} : memref<49x16x768xf32, #tpu.memory_space<vmem>>, vector<49x1x768xf32>,
    %get3A_42 = arith.constant 0 : index
    %get3A_43 = arith.constant 2 : index
    %get3A_44 = arith.constant 0 : index
    %get3A_45 = vector.load %arg1[%get3A_42, %get3A_43, %get3A_44] : memref<1x16x196xi32, #tpu.memory_space<vmem>>, vector<1x1x196xi32>
    %get3A_46 = vector.shape_cast %get3A_45 : vector<1x1x196xi32> to vector<196xi32>
    %get3A_47 = arith.constant 0 : index
    %get3A_48 = arith.constant 2 : index
    %get3A_49 = arith.constant 0 : index
    %get3A_50 = vector.load %arg2[%get3A_47, %get3A_48, %get3A_49] : memref<196x16x768xf32, #tpu.memory_space<vmem>>, vector<196x1x768xf32>
    %get3A_51 = vector.shape_cast %get3A_50 : vector<196x1x768xf32> to vector<196x768xf32>
    %slice3A_52 = vector.extract_strided_slice %get3A_46 {offsets = [0], sizes = [49], strides = [1]} : vector<196xi32> to vector<49xi32>
    %broadcast_in_dim3A_53 = vector.shape_cast %slice3A_52 : vector<49xi32> to vector<49x1xi32>
    %iota3A_54 = tpu.iota {dimensions = array<i32: 1>} : vector<49x196xi32>
    %eq3A_55 = vector.broadcast %broadcast_in_dim3A_53 : vector<49x1xi32> to vector<49x196xi32>
    %eq3A_56 = arith.cmpi eq, %eq3A_55, %iota3A_54 : vector<49x196xi32>
    %convert_element_type3A_57 = arith.extui %eq3A_56 : vector<49x196xi1> to vector<49x196xi32>
    %convert_element_type3A_58 = arith.sitofp %convert_element_type3A_57 : vector<49x196xi32> to vector<49x196xf32>
    %dot_general3A_59 = arith.constant dense<0.000000e+00> : vector<49x768xf32>
    %dot_general3A_60 = tpu.matmul %convert_element_type3A_58, %get3A_51, %dot_general3A_59 {dimension_numbers = #tpu.dot_dimension_numbers<[1], [0], [0], [1], [0, 0, 1, 1], [], []>, transpose_lhs_hint = false} : vector<49x196xf32>, vector<196x768xf32>, vector<49x768xf32> -> vector<49x768xf32>
    %swap3A_61 = arith.constant 0 : index
    %swap3A_62 = arith.constant 2 : index
    %swap3A_63 = arith.constant 0 : index
    %swap3A_64 = vector.load %arg3[%swap3A_61, %swap3A_62, %swap3A_63] : memref<49x16x768xf32, #tpu.memory_space<vmem>>, vector<49x1x768xf32>
    %swap3A_65 = vector.shape_cast %swap3A_64 : vector<49x1x768xf32> to vector<49x768xf32>
    %swap3A_66 = vector.shape_cast %dot_general3A_60 : vector<49x768xf32> to vector<49x1x768xf32>
    tpu.vector_store %arg3[%swap3A_61, %swap3A_62, %swap3A_63], %swap3A_66 {strides = array<i32>} : memref<49x16x768xf32, #tpu.memory_space<vmem>>, vector<49x1x768xf32>,
    %get3A_67 = arith.constant 0 : index
    %get3A_68 = arith.constant 3 : index
    %get3A_69 = arith.constant 0 : index
    %get3A_70 = vector.load %arg1[%get3A_67, %get3A_68, %get3A_69] : memref<1x16x196xi32, #tpu.memory_space<vmem>>, vector<1x1x196xi32>
    %get3A_71 = vector.shape_cast %get3A_70 : vector<1x1x196xi32> to vector<196xi32>
    %get3A_72 = arith.constant 0 : index
    %get3A_73 = arith.constant 3 : index
    %get3A_74 = arith.constant 0 : index
    %get3A_75 = vector.load %arg2[%get3A_72, %get3A_73, %get3A_74] : memref<196x16x768xf32, #tpu.memory_space<vmem>>, vector<196x1x768xf32>
    %get3A_76 = vector.shape_cast %get3A_75 : vector<196x1x768xf32> to vector<196x768xf32>
    %slice3A_77 = vector.extract_strided_slice %get3A_71 {offsets = [0], sizes = [49], strides = [1]} : vector<196xi32> to vector<49xi32>
    %broadcast_in_dim3A_78 = vector.shape_cast %slice3A_77 : vector<49xi32> to vector<49x1xi32>
    %iota3A_79 = tpu.iota {dimensions = array<i32: 1>} : vector<49x196xi32>
    %eq3A_80 = vector.broadcast %broadcast_in_dim3A_78 : vector<49x1xi32> to vector<49x196xi32>
    %eq3A_81 = arith.cmpi eq, %eq3A_80, %iota3A_79 : vector<49x196xi32>
    %convert_element_type3A_82 = arith.extui %eq3A_81 : vector<49x196xi1> to vector<49x196xi32>
    %convert_element_type3A_83 = arith.sitofp %convert_element_type3A_82 : vector<49x196xi32> to vector<49x196xf32>
    %dot_general3A_84 = arith.constant dense<0.000000e+00> : vector<49x768xf32>
    %dot_general3A_85 = tpu.matmul %convert_element_type3A_83, %get3A_76, %dot_general3A_84 {dimension_numbers = #tpu.dot_dimension_numbers<[1], [0], [0], [1], [0, 0, 1, 1], [], []>, transpose_lhs_hint = false} : vector<49x196xf32>, vector<196x768xf32>, vector<49x768xf32> -> vector<49x768xf32>
    %swap3A_86 = arith.constant 0 : index
    %swap3A_87 = arith.constant 3 : index
    %swap3A_88 = arith.constant 0 : index
    %swap3A_89 = vector.load %arg3[%swap3A_86, %swap3A_87, %swap3A_88] : memref<49x16x768xf32, #tpu.memory_space<vmem>>, vector<49x1x768xf32>
    %swap3A_90 = vector.shape_cast %swap3A_89 : vector<49x1x768xf32> to vector<49x768xf32>
    %swap3A_91 = vector.shape_cast %dot_general3A_85 : vector<49x768xf32> to vector<49x1x768xf32>
    tpu.vector_store %arg3[%swap3A_86, %swap3A_87, %swap3A_88], %swap3A_91 {strides = array<i32>} : memref<49x16x768xf32, #tpu.memory_space<vmem>>, vector<49x1x768xf32>,
    %get3A_92 = arith.constant 0 : index
    %get3A_93 = arith.constant 4 : index
    %get3A_94 = arith.constant 0 : index
    %get3A_95 = vector.load %arg1[%get3A_92, %get3A_93, %get3A_94] : memref<1x16x196xi32, #tpu.memory_space<vmem>>, vector<1x1x196xi32>
    %get3A_96 = vector.shape_cast %get3A_95 : vector<1x1x196xi32> to vector<196xi32>
    %get3A_97 = arith.constant 0 : index
    %get3A_98 = arith.constant 4 : index
    %get3A_99 = arith.constant 0 : index
    %get3A_100 = vector.load %arg2[%get3A_97, %get3A_98, %get3A_99] : memref<196x16x768xf32, #tpu.memory_space<vmem>>, vector<196x1x768xf32>
    %get3A_101 = vector.shape_cast %get3A_100 : vector<196x1x768xf32> to vector<196x768xf32>
    %slice3A_102 = vector.extract_strided_slice %get3A_96 {offsets = [0], sizes = [49], strides = [1]} : vector<196xi32> to vector<49xi32>
    %broadcast_in_dim3A_103 = vector.shape_cast %slice3A_102 : vector<49xi32> to vector<49x1xi32>
    %iota3A_104 = tpu.iota {dimensions = array<i32: 1>} : vector<49x196xi32>
    %eq3A_105 = vector.broadcast %broadcast_in_dim3A_103 : vector<49x1xi32> to vector<49x196xi32>
    %eq3A_106 = arith.cmpi eq, %eq3A_105, %iota3A_104 : vector<49x196xi32>
    %convert_element_type3A_107 = arith.extui %eq3A_106 : vector<49x196xi1> to vector<49x196xi32>
    %convert_element_type3A_108 = arith.sitofp %convert_element_type3A_107 : vector<49x196xi32> to vector<49x196xf32>
    %dot_general3A_109 = arith.constant dense<0.000000e+00> : vector<49x768xf32>
    %dot_general3A_110 = tpu.matmul %convert_element_type3A_108, %get3A_101, %dot_general3A_109 {dimension_numbers = #tpu.dot_dimension_numbers<[1], [0], [0], [1], [0, 0, 1, 1], [], []>, transpose_lhs_hint = false} : vector<49x196xf32>, vector<196x768xf32>, vector<49x768xf32> -> vector<49x768xf32>
    %swap3A_111 = arith.constant 0 : index
    %swap3A_112 = arith.constant 4 : index
    %swap3A_113 = arith.constant 0 : index
    %swap3A_114 = vector.load %arg3[%swap3A_111, %swap3A_112, %swap3A_113] : memref<49x16x768xf32, #tpu.memory_space<vmem>>, vector<49x1x768xf32>
    %swap3A_115 = vector.shape_cast %swap3A_114 : vector<49x1x768xf32> to vector<49x768xf32>
    %swap3A_116 = vector.shape_cast %dot_general3A_110 : vector<49x768xf32> to vector<49x1x768xf32>
    tpu.vector_store %arg3[%swap3A_111, %swap3A_112, %swap3A_113], %swap3A_116 {strides = array<i32>} : memref<49x16x768xf32, #tpu.memory_space<vmem>>, vector<49x1x768xf32>,
    %get3A_117 = arith.constant 0 : index
    %get3A_118 = arith.constant 5 : index
    %get3A_119 = arith.constant 0 : index
    %get3A_120 = vector.load %arg1[%get3A_117, %get3A_118, %get3A_119] : memref<1x16x196xi32, #tpu.memory_space<vmem>>, vector<1x1x196xi32>
    %get3A_121 = vector.shape_cast %get3A_120 : vector<1x1x196xi32> to vector<196xi32>
    %get3A_122 = arith.constant 0 : index
    %get3A_123 = arith.constant 5 : index
    %get3A_124 = arith.constant 0 : index
    %get3A_125 = vector.load %arg2[%get3A_122, %get3A_123, %get3A_124] : memref<196x16x768xf32, #tpu.memory_space<vmem>>, vector<196x1x768xf32>
    %get3A_126 = vector.shape_cast %get3A_125 : vector<196x1x768xf32> to vector<196x768xf32>
    %slice3A_127 = vector.extract_strided_slice %get3A_121 {offsets = [0], sizes = [49], strides = [1]} : vector<196xi32> to vector<49xi32>
    %broadcast_in_dim3A_128 = vector.shape_cast %slice3A_127 : vector<49xi32> to vector<49x1xi32>
    %iota3A_129 = tpu.iota {dimensions = array<i32: 1>} : vector<49x196xi32>
    %eq3A_130 = vector.broadcast %broadcast_in_dim3A_128 : vector<49x1xi32> to vector<49x196xi32>
    %eq3A_131 = arith.cmpi eq, %eq3A_130, %iota3A_129 : vector<49x196xi32>
    %convert_element_type3A_132 = arith.extui %eq3A_131 : vector<49x196xi1> to vector<49x196xi32>
    %convert_element_type3A_133 = arith.sitofp %convert_element_type3A_132 : vector<49x196xi32> to vector<49x196xf32>
    %dot_general3A_134 = arith.constant dense<0.000000e+00> : vector<49x768xf32>
    %dot_general3A_135 = tpu.matmul %convert_element_type3A_133, %get3A_126, %dot_general3A_134 {dimension_numbers = #tpu.dot_dimension_numbers<[1], [0], [0], [1], [0, 0, 1, 1], [], []>, transpose_lhs_hint = false} : vector<49x196xf32>, vector<196x768xf32>, vector<49x768xf32> -> vector<49x768xf32>
    %swap3A_136 = arith.constant 0 : index
    %swap3A_137 = arith.constant 5 : index
    %swap3A_138 = arith.constant 0 : index
    %swap3A_139 = vector.load %arg3[%swap3A_136, %swap3A_137, %swap3A_138] : memref<49x16x768xf32, #tpu.memory_space<vmem>>, vector<49x1x768xf32>
    %swap3A_140 = vector.shape_cast %swap3A_139 : vector<49x1x768xf32> to vector<49x768xf32>
    %swap3A_141 = vector.shape_cast %dot_general3A_135 : vector<49x768xf32> to vector<49x1x768xf32>
    tpu.vector_store %arg3[%swap3A_136, %swap3A_137, %swap3A_138], %swap3A_141 {strides = array<i32>} : memref<49x16x768xf32, #tpu.memory_space<vmem>>, vector<49x1x768xf32>,
    %get3A_142 = arith.constant 0 : index
    %get3A_143 = arith.constant 6 : index
    %get3A_144 = arith.constant 0 : index
    %get3A_145 = vector.load %arg1[%get3A_142, %get3A_143, %get3A_144] : memref<1x16x196xi32, #tpu.memory_space<vmem>>, vector<1x1x196xi32>
    %get3A_146 = vector.shape_cast %get3A_145 : vector<1x1x196xi32> to vector<196xi32>
    %get3A_147 = arith.constant 0 : index
    %get3A_148 = arith.constant 6 : index
    %get3A_149 = arith.constant 0 : index
    %get3A_150 = vector.load %arg2[%get3A_147, %get3A_148, %get3A_149] : memref<196x16x768xf32, #tpu.memory_space<vmem>>, vector<196x1x768xf32>
    %get3A_151 = vector.shape_cast %get3A_150 : vector<196x1x768xf32> to vector<196x768xf32>
    %slice3A_152 = vector.extract_strided_slice %get3A_146 {offsets = [0], sizes = [49], strides = [1]} : vector<196xi32> to vector<49xi32>
    %broadcast_in_dim3A_153 = vector.shape_cast %slice3A_152 : vector<49xi32> to vector<49x1xi32>
    %iota3A_154 = tpu.iota {dimensions = array<i32: 1>} : vector<49x196xi32>
    %eq3A_155 = vector.broadcast %broadcast_in_dim3A_153 : vector<49x1xi32> to vector<49x196xi32>
    %eq3A_156 = arith.cmpi eq, %eq3A_155, %iota3A_154 : vector<49x196xi32>
    %convert_element_type3A_157 = arith.extui %eq3A_156 : vector<49x196xi1> to vector<49x196xi32>
    %convert_element_type3A_158 = arith.sitofp %convert_element_type3A_157 : vector<49x196xi32> to vector<49x196xf32>
    %dot_general3A_159 = arith.constant dense<0.000000e+00> : vector<49x768xf32>
    %dot_general3A_160 = tpu.matmul %convert_element_type3A_158, %get3A_151, %dot_general3A_159 {dimension_numbers = #tpu.dot_dimension_numbers<[1], [0], [0], [1], [0, 0, 1, 1], [], []>, transpose_lhs_hint = false} : vector<49x196xf32>, vector<196x768xf32>, vector<49x768xf32> -> vector<49x768xf32>
    %swap3A_161 = arith.constant 0 : index
    %swap3A_162 = arith.constant 6 : index
    %swap3A_163 = arith.constant 0 : index
    %swap3A_164 = vector.load %arg3[%swap3A_161, %swap3A_162, %swap3A_163] : memref<49x16x768xf32, #tpu.memory_space<vmem>>, vector<49x1x768xf32>
    %swap3A_165 = vector.shape_cast %swap3A_164 : vector<49x1x768xf32> to vector<49x768xf32>
    %swap3A_166 = vector.shape_cast %dot_general3A_160 : vector<49x768xf32> to vector<49x1x768xf32>
    tpu.vector_store %arg3[%swap3A_161, %swap3A_162, %swap3A_163], %swap3A_166 {strides = array<i32>} : memref<49x16x768xf32, #tpu.memory_space<vmem>>, vector<49x1x768xf32>,
    %get3A_167 = arith.constant 0 : index
    %get3A_168 = arith.constant 7 : index
    %get3A_169 = arith.constant 0 : index
    %get3A_170 = vector.load %arg1[%get3A_167, %get3A_168, %get3A_169] : memref<1x16x196xi32, #tpu.memory_space<vmem>>, vector<1x1x196xi32>
    %get3A_171 = vector.shape_cast %get3A_170 : vector<1x1x196xi32> to vector<196xi32>
    %get3A_172 = arith.constant 0 : index
    %get3A_173 = arith.constant 7 : index
    %get3A_174 = arith.constant 0 : index
    %get3A_175 = vector.load %arg2[%get3A_172, %get3A_173, %get3A_174] : memref<196x16x768xf32, #tpu.memory_space<vmem>>, vector<196x1x768xf32>
    %get3A_176 = vector.shape_cast %get3A_175 : vector<196x1x768xf32> to vector<196x768xf32>
    %slice3A_177 = vector.extract_strided_slice %get3A_171 {offsets = [0], sizes = [49], strides = [1]} : vector<196xi32> to vector<49xi32>
    %broadcast_in_dim3A_178 = vector.shape_cast %slice3A_177 : vector<49xi32> to vector<49x1xi32>
    %iota3A_179 = tpu.iota {dimensions = array<i32: 1>} : vector<49x196xi32>
    %eq3A_180 = vector.broadcast %broadcast_in_dim3A_178 : vector<49x1xi32> to vector<49x196xi32>
    %eq3A_181 = arith.cmpi eq, %eq3A_180, %iota3A_179 : vector<49x196xi32>
    %convert_element_type3A_182 = arith.extui %eq3A_181 : vector<49x196xi1> to vector<49x196xi32>
    %convert_element_type3A_183 = arith.sitofp %convert_element_type3A_182 : vector<49x196xi32> to vector<49x196xf32>
    %dot_general3A_184 = arith.constant dense<0.000000e+00> : vector<49x768xf32>
    %dot_general3A_185 = tpu.matmul %convert_element_type3A_183, %get3A_176, %dot_general3A_184 {dimension_numbers = #tpu.dot_dimension_numbers<[1], [0], [0], [1], [0, 0, 1, 1], [], []>, transpose_lhs_hint = false} : vector<49x196xf32>, vector<196x768xf32>, vector<49x768xf32> -> vector<49x768xf32>
    %swap3A_186 = arith.constant 0 : index
    %swap3A_187 = arith.constant 7 : index
    %swap3A_188 = arith.constant 0 : index
    %swap3A_189 = vector.load %arg3[%swap3A_186, %swap3A_187, %swap3A_188] : memref<49x16x768xf32, #tpu.memory_space<vmem>>, vector<49x1x768xf32>
    %swap3A_190 = vector.shape_cast %swap3A_189 : vector<49x1x768xf32> to vector<49x768xf32>
    %swap3A_191 = vector.shape_cast %dot_general3A_185 : vector<49x768xf32> to vector<49x1x768xf32>
    tpu.vector_store %arg3[%swap3A_186, %swap3A_187, %swap3A_188], %swap3A_191 {strides = array<i32>} : memref<49x16x768xf32, #tpu.memory_space<vmem>>, vector<49x1x768xf32>,
    %get3A_192 = arith.constant 0 : index
    %get3A_193 = arith.constant 8 : index
    %get3A_194 = arith.constant 0 : index
    %get3A_195 = vector.load %arg1[%get3A_192, %get3A_193, %get3A_194] : memref<1x16x196xi32, #tpu.memory_space<vmem>>, vector<1x1x196xi32>
    %get3A_196 = vector.shape_cast %get3A_195 : vector<1x1x196xi32> to vector<196xi32>
    %get3A_197 = arith.constant 0 : index
    %get3A_198 = arith.constant 8 : index
    %get3A_199 = arith.constant 0 : index
    %get3A_200 = vector.load %arg2[%get3A_197, %get3A_198, %get3A_199] : memref<196x16x768xf32, #tpu.memory_space<vmem>>, vector<196x1x768xf32>
    %get3A_201 = vector.shape_cast %get3A_200 : vector<196x1x768xf32> to vector<196x768xf32>
    %slice3A_202 = vector.extract_strided_slice %get3A_196 {offsets = [0], sizes = [49], strides = [1]} : vector<196xi32> to vector<49xi32>
    %broadcast_in_dim3A_203 = vector.shape_cast %slice3A_202 : vector<49xi32> to vector<49x1xi32>
    %iota3A_204 = tpu.iota {dimensions = array<i32: 1>} : vector<49x196xi32>
    %eq3A_205 = vector.broadcast %broadcast_in_dim3A_203 : vector<49x1xi32> to vector<49x196xi32>
    %eq3A_206 = arith.cmpi eq, %eq3A_205, %iota3A_204 : vector<49x196xi32>
    %convert_element_type3A_207 = arith.extui %eq3A_206 : vector<49x196xi1> to vector<49x196xi32>
    %convert_element_type3A_208 = arith.sitofp %convert_element_type3A_207 : vector<49x196xi32> to vector<49x196xf32>
    %dot_general3A_209 = arith.constant dense<0.000000e+00> : vector<49x768xf32>
    %dot_general3A_210 = tpu.matmul %convert_element_type3A_208, %get3A_201, %dot_general3A_209 {dimension_numbers = #tpu.dot_dimension_numbers<[1], [0], [0], [1], [0, 0, 1, 1], [], []>, transpose_lhs_hint = false} : vector<49x196xf32>, vector<196x768xf32>, vector<49x768xf32> -> vector<49x768xf32>
    %swap3A_211 = arith.constant 0 : index
    %swap3A_212 = arith.constant 8 : index
    %swap3A_213 = arith.constant 0 : index
    %swap3A_214 = vector.load %arg3[%swap3A_211, %swap3A_212, %swap3A_213] : memref<49x16x768xf32, #tpu.memory_space<vmem>>, vector<49x1x768xf32>
    %swap3A_215 = vector.shape_cast %swap3A_214 : vector<49x1x768xf32> to vector<49x768xf32>
    %swap3A_216 = vector.shape_cast %dot_general3A_210 : vector<49x768xf32> to vector<49x1x768xf32>
    tpu.vector_store %arg3[%swap3A_211, %swap3A_212, %swap3A_213], %swap3A_216 {strides = array<i32>} : memref<49x16x768xf32, #tpu.memory_space<vmem>>, vector<49x1x768xf32>,
    %get3A_217 = arith.constant 0 : index
    %get3A_218 = arith.constant 9 : index
    %get3A_219 = arith.constant 0 : index
    %get3A_220 = vector.load %arg1[%get3A_217, %get3A_218, %get3A_219] : memref<1x16x196xi32, #tpu.memory_space<vmem>>, vector<1x1x196xi32>
    %get3A_221 = vector.shape_cast %get3A_220 : vector<1x1x196xi32> to vector<196xi32>
    %get3A_222 = arith.constant 0 : index
    %get3A_223 = arith.constant 9 : index
    %get3A_224 = arith.constant 0 : index
    %get3A_225 = vector.load %arg2[%get3A_222, %get3A_223, %get3A_224] : memref<196x16x768xf32, #tpu.memory_space<vmem>>, vector<196x1x768xf32>
    %get3A_226 = vector.shape_cast %get3A_225 : vector<196x1x768xf32> to vector<196x768xf32>
    %slice3A_227 = vector.extract_strided_slice %get3A_221 {offsets = [0], sizes = [49], strides = [1]} : vector<196xi32> to vector<49xi32>
    %broadcast_in_dim3A_228 = vector.shape_cast %slice3A_227 : vector<49xi32> to vector<49x1xi32>
    %iota3A_229 = tpu.iota {dimensions = array<i32: 1>} : vector<49x196xi32>
    %eq3A_230 = vector.broadcast %broadcast_in_dim3A_228 : vector<49x1xi32> to vector<49x196xi32>
    %eq3A_231 = arith.cmpi eq, %eq3A_230, %iota3A_229 : vector<49x196xi32>
    %convert_element_type3A_232 = arith.extui %eq3A_231 : vector<49x196xi1> to vector<49x196xi32>
    %convert_element_type3A_233 = arith.sitofp %convert_element_type3A_232 : vector<49x196xi32> to vector<49x196xf32>
    %dot_general3A_234 = arith.constant dense<0.000000e+00> : vector<49x768xf32>
    %dot_general3A_235 = tpu.matmul %convert_element_type3A_233, %get3A_226, %dot_general3A_234 {dimension_numbers = #tpu.dot_dimension_numbers<[1], [0], [0], [1], [0, 0, 1, 1], [], []>, transpose_lhs_hint = false} : vector<49x196xf32>, vector<196x768xf32>, vector<49x768xf32> -> vector<49x768xf32>
    %swap3A_236 = arith.constant 0 : index
    %swap3A_237 = arith.constant 9 : index
    %swap3A_238 = arith.constant 0 : index
    %swap3A_239 = vector.load %arg3[%swap3A_236, %swap3A_237, %swap3A_238] : memref<49x16x768xf32, #tpu.memory_space<vmem>>, vector<49x1x768xf32>
    %swap3A_240 = vector.shape_cast %swap3A_239 : vector<49x1x768xf32> to vector<49x768xf32>
    %swap3A_241 = vector.shape_cast %dot_general3A_235 : vector<49x768xf32> to vector<49x1x768xf32>
    tpu.vector_store %arg3[%swap3A_236, %swap3A_237, %swap3A_238], %swap3A_241 {strides = array<i32>} : memref<49x16x768xf32, #tpu.memory_space<vmem>>, vector<49x1x768xf32>,
    %get3A_242 = arith.constant 0 : index
    %get3A_243 = arith.constant 10 : index
    %get3A_244 = arith.constant 0 : index
    %get3A_245 = vector.load %arg1[%get3A_242, %get3A_243, %get3A_244] : memref<1x16x196xi32, #tpu.memory_space<vmem>>, vector<1x1x196xi32>
    %get3A_246 = vector.shape_cast %get3A_245 : vector<1x1x196xi32> to vector<196xi32>
    %get3A_247 = arith.constant 0 : index
    %get3A_248 = arith.constant 10 : index
    %get3A_249 = arith.constant 0 : index
    %get3A_250 = vector.load %arg2[%get3A_247, %get3A_248, %get3A_249] : memref<196x16x768xf32, #tpu.memory_space<vmem>>, vector<196x1x768xf32>
    %get3A_251 = vector.shape_cast %get3A_250 : vector<196x1x768xf32> to vector<196x768xf32>
    %slice3A_252 = vector.extract_strided_slice %get3A_246 {offsets = [0], sizes = [49], strides = [1]} : vector<196xi32> to vector<49xi32>
    %broadcast_in_dim3A_253 = vector.shape_cast %slice3A_252 : vector<49xi32> to vector<49x1xi32>
    %iota3A_254 = tpu.iota {dimensions = array<i32: 1>} : vector<49x196xi32>
    %eq3A_255 = vector.broadcast %broadcast_in_dim3A_253 : vector<49x1xi32> to vector<49x196xi32>
    %eq3A_256 = arith.cmpi eq, %eq3A_255, %iota3A_254 : vector<49x196xi32>
    %convert_element_type3A_257 = arith.extui %eq3A_256 : vector<49x196xi1> to vector<49x196xi32>
    %convert_element_type3A_258 = arith.sitofp %convert_element_type3A_257 : vector<49x196xi32> to vector<49x196xf32>
    %dot_general3A_259 = arith.constant dense<0.000000e+00> : vector<49x768xf32>
    %dot_general3A_260 = tpu.matmul %convert_element_type3A_258, %get3A_251, %dot_general3A_259 {dimension_numbers = #tpu.dot_dimension_numbers<[1], [0], [0], [1], [0, 0, 1, 1], [], []>, transpose_lhs_hint = false} : vector<49x196xf32>, vector<196x768xf32>, vector<49x768xf32> -> vector<49x768xf32>
    %swap3A_261 = arith.constant 0 : index
    %swap3A_262 = arith.constant 10 : index
    %swap3A_263 = arith.constant 0 : index
    %swap3A_264 = vector.load %arg3[%swap3A_261, %swap3A_262, %swap3A_263] : memref<49x16x768xf32, #tpu.memory_space<vmem>>, vector<49x1x768xf32>
    %swap3A_265 = vector.shape_cast %swap3A_264 : vector<49x1x768xf32> to vector<49x768xf32>
    %swap3A_266 = vector.shape_cast %dot_general3A_260 : vector<49x768xf32> to vector<49x1x768xf32>
    tpu.vector_store %arg3[%swap3A_261, %swap3A_262, %swap3A_263], %swap3A_266 {strides = array<i32>} : memref<49x16x768xf32, #tpu.memory_space<vmem>>, vector<49x1x768xf32>,
    %get3A_267 = arith.constant 0 : index
    %get3A_268 = arith.constant 11 : index
    %get3A_269 = arith.constant 0 : index
    %get3A_270 = vector.load %arg1[%get3A_267, %get3A_268, %get3A_269] : memref<1x16x196xi32, #tpu.memory_space<vmem>>, vector<1x1x196xi32>
    %get3A_271 = vector.shape_cast %get3A_270 : vector<1x1x196xi32> to vector<196xi32>
    %get3A_272 = arith.constant 0 : index
    %get3A_273 = arith.constant 11 : index
    %get3A_274 = arith.constant 0 : index
    %get3A_275 = vector.load %arg2[%get3A_272, %get3A_273, %get3A_274] : memref<196x16x768xf32, #tpu.memory_space<vmem>>, vector<196x1x768xf32>
    %get3A_276 = vector.shape_cast %get3A_275 : vector<196x1x768xf32> to vector<196x768xf32>
    %slice3A_277 = vector.extract_strided_slice %get3A_271 {offsets = [0], sizes = [49], strides = [1]} : vector<196xi32> to vector<49xi32>
    %broadcast_in_dim3A_278 = vector.shape_cast %slice3A_277 : vector<49xi32> to vector<49x1xi32>
    %iota3A_279 = tpu.iota {dimensions = array<i32: 1>} : vector<49x196xi32>
    %eq3A_280 = vector.broadcast %broadcast_in_dim3A_278 : vector<49x1xi32> to vector<49x196xi32>
    %eq3A_281 = arith.cmpi eq, %eq3A_280, %iota3A_279 : vector<49x196xi32>
    %convert_element_type3A_282 = arith.extui %eq3A_281 : vector<49x196xi1> to vector<49x196xi32>
    %convert_element_type3A_283 = arith.sitofp %convert_element_type3A_282 : vector<49x196xi32> to vector<49x196xf32>
    %dot_general3A_284 = arith.constant dense<0.000000e+00> : vector<49x768xf32>
    %dot_general3A_285 = tpu.matmul %convert_element_type3A_283, %get3A_276, %dot_general3A_284 {dimension_numbers = #tpu.dot_dimension_numbers<[1], [0], [0], [1], [0, 0, 1, 1], [], []>, transpose_lhs_hint = false} : vector<49x196xf32>, vector<196x768xf32>, vector<49x768xf32> -> vector<49x768xf32>
    %swap3A_286 = arith.constant 0 : index
    %swap3A_287 = arith.constant 11 : index
    %swap3A_288 = arith.constant 0 : index
    %swap3A_289 = vector.load %arg3[%swap3A_286, %swap3A_287, %swap3A_288] : memref<49x16x768xf32, #tpu.memory_space<vmem>>, vector<49x1x768xf32>
    %swap3A_290 = vector.shape_cast %swap3A_289 : vector<49x1x768xf32> to vector<49x768xf32>
    %swap3A_291 = vector.shape_cast %dot_general3A_285 : vector<49x768xf32> to vector<49x1x768xf32>
    tpu.vector_store %arg3[%swap3A_286, %swap3A_287, %swap3A_288], %swap3A_291 {strides = array<i32>} : memref<49x16x768xf32, #tpu.memory_space<vmem>>, vector<49x1x768xf32>,
    %get3A_292 = arith.constant 0 : index
    %get3A_293 = arith.constant 12 : index
    %get3A_294 = arith.constant 0 : index
    %get3A_295 = vector.load %arg1[%get3A_292, %get3A_293, %get3A_294] : memref<1x16x196xi32, #tpu.memory_space<vmem>>, vector<1x1x196xi32>
    %get3A_296 = vector.shape_cast %get3A_295 : vector<1x1x196xi32> to vector<196xi32>
    %get3A_297 = arith.constant 0 : index
    %get3A_298 = arith.constant 12 : index
    %get3A_299 = arith.constant 0 : index
    %get3A_300 = vector.load %arg2[%get3A_297, %get3A_298, %get3A_299] : memref<196x16x768xf32, #tpu.memory_space<vmem>>, vector<196x1x768xf32>
    %get3A_301 = vector.shape_cast %get3A_300 : vector<196x1x768xf32> to vector<196x768xf32>
    %slice3A_302 = vector.extract_strided_slice %get3A_296 {offsets = [0], sizes = [49], strides = [1]} : vector<196xi32> to vector<49xi32>
    %broadcast_in_dim3A_303 = vector.shape_cast %slice3A_302 : vector<49xi32> to vector<49x1xi32>
    %iota3A_304 = tpu.iota {dimensions = array<i32: 1>} : vector<49x196xi32>
    %eq3A_305 = vector.broadcast %broadcast_in_dim3A_303 : vector<49x1xi32> to vector<49x196xi32>
    %eq3A_306 = arith.cmpi eq, %eq3A_305, %iota3A_304 : vector<49x196xi32>
    %convert_element_type3A_307 = arith.extui %eq3A_306 : vector<49x196xi1> to vector<49x196xi32>
    %convert_element_type3A_308 = arith.sitofp %convert_element_type3A_307 : vector<49x196xi32> to vector<49x196xf32>
    %dot_general3A_309 = arith.constant dense<0.000000e+00> : vector<49x768xf32>
    %dot_general3A_310 = tpu.matmul %convert_element_type3A_308, %get3A_301, %dot_general3A_309 {dimension_numbers = #tpu.dot_dimension_numbers<[1], [0], [0], [1], [0, 0, 1, 1], [], []>, transpose_lhs_hint = false} : vector<49x196xf32>, vector<196x768xf32>, vector<49x768xf32> -> vector<49x768xf32>
    %swap3A_311 = arith.constant 0 : index
    %swap3A_312 = arith.constant 12 : index
    %swap3A_313 = arith.constant 0 : index
    %swap3A_314 = vector.load %arg3[%swap3A_311, %swap3A_312, %swap3A_313] : memref<49x16x768xf32, #tpu.memory_space<vmem>>, vector<49x1x768xf32>
    %swap3A_315 = vector.shape_cast %swap3A_314 : vector<49x1x768xf32> to vector<49x768xf32>
    %swap3A_316 = vector.shape_cast %dot_general3A_310 : vector<49x768xf32> to vector<49x1x768xf32>
    tpu.vector_store %arg3[%swap3A_311, %swap3A_312, %swap3A_313], %swap3A_316 {strides = array<i32>} : memref<49x16x768xf32, #tpu.memory_space<vmem>>, vector<49x1x768xf32>,
    %get3A_317 = arith.constant 0 : index
    %get3A_318 = arith.constant 13 : index
    %get3A_319 = arith.constant 0 : index
    %get3A_320 = vector.load %arg1[%get3A_317, %get3A_318, %get3A_319] : memref<1x16x196xi32, #tpu.memory_space<vmem>>, vector<1x1x196xi32>
    %get3A_321 = vector.shape_cast %get3A_320 : vector<1x1x196xi32> to vector<196xi32>
    %get3A_322 = arith.constant 0 : index
    %get3A_323 = arith.constant 13 : index
    %get3A_324 = arith.constant 0 : index
    %get3A_325 = vector.load %arg2[%get3A_322, %get3A_323, %get3A_324] : memref<196x16x768xf32, #tpu.memory_space<vmem>>, vector<196x1x768xf32>
    %get3A_326 = vector.shape_cast %get3A_325 : vector<196x1x768xf32> to vector<196x768xf32>
    %slice3A_327 = vector.extract_strided_slice %get3A_321 {offsets = [0], sizes = [49], strides = [1]} : vector<196xi32> to vector<49xi32>
    %broadcast_in_dim3A_328 = vector.shape_cast %slice3A_327 : vector<49xi32> to vector<49x1xi32>
    %iota3A_329 = tpu.iota {dimensions = array<i32: 1>} : vector<49x196xi32>
    %eq3A_330 = vector.broadcast %broadcast_in_dim3A_328 : vector<49x1xi32> to vector<49x196xi32>
    %eq3A_331 = arith.cmpi eq, %eq3A_330, %iota3A_329 : vector<49x196xi32>
    %convert_element_type3A_332 = arith.extui %eq3A_331 : vector<49x196xi1> to vector<49x196xi32>
    %convert_element_type3A_333 = arith.sitofp %convert_element_type3A_332 : vector<49x196xi32> to vector<49x196xf32>
    %dot_general3A_334 = arith.constant dense<0.000000e+00> : vector<49x768xf32>
    %dot_general3A_335 = tpu.matmul %convert_element_type3A_333, %get3A_326, %dot_general3A_334 {dimension_numbers = #tpu.dot_dimension_numbers<[1], [0], [0], [1], [0, 0, 1, 1], [], []>, transpose_lhs_hint = false} : vector<49x196xf32>, vector<196x768xf32>, vector<49x768xf32> -> vector<49x768xf32>
    %swap3A_336 = arith.constant 0 : index
    %swap3A_337 = arith.constant 13 : index
    %swap3A_338 = arith.constant 0 : index
    %swap3A_339 = vector.load %arg3[%swap3A_336, %swap3A_337, %swap3A_338] : memref<49x16x768xf32, #tpu.memory_space<vmem>>, vector<49x1x768xf32>
    %swap3A_340 = vector.shape_cast %swap3A_339 : vector<49x1x768xf32> to vector<49x768xf32>
    %swap3A_341 = vector.shape_cast %dot_general3A_335 : vector<49x768xf32> to vector<49x1x768xf32>
    tpu.vector_store %arg3[%swap3A_336, %swap3A_337, %swap3A_338], %swap3A_341 {strides = array<i32>} : memref<49x16x768xf32, #tpu.memory_space<vmem>>, vector<49x1x768xf32>,
    %get3A_342 = arith.constant 0 : index
    %get3A_343 = arith.constant 14 : index
    %get3A_344 = arith.constant 0 : index
    %get3A_345 = vector.load %arg1[%get3A_342, %get3A_343, %get3A_344] : memref<1x16x196xi32, #tpu.memory_space<vmem>>, vector<1x1x196xi32>
    %get3A_346 = vector.shape_cast %get3A_345 : vector<1x1x196xi32> to vector<196xi32>
    %get3A_347 = arith.constant 0 : index
    %get3A_348 = arith.constant 14 : index
    %get3A_349 = arith.constant 0 : index
    %get3A_350 = vector.load %arg2[%get3A_347, %get3A_348, %get3A_349] : memref<196x16x768xf32, #tpu.memory_space<vmem>>, vector<196x1x768xf32>
    %get3A_351 = vector.shape_cast %get3A_350 : vector<196x1x768xf32> to vector<196x768xf32>
    %slice3A_352 = vector.extract_strided_slice %get3A_346 {offsets = [0], sizes = [49], strides = [1]} : vector<196xi32> to vector<49xi32>
    %broadcast_in_dim3A_353 = vector.shape_cast %slice3A_352 : vector<49xi32> to vector<49x1xi32>
    %iota3A_354 = tpu.iota {dimensions = array<i32: 1>} : vector<49x196xi32>
    %eq3A_355 = vector.broadcast %broadcast_in_dim3A_353 : vector<49x1xi32> to vector<49x196xi32>
    %eq3A_356 = arith.cmpi eq, %eq3A_355, %iota3A_354 : vector<49x196xi32>
    %convert_element_type3A_357 = arith.extui %eq3A_356 : vector<49x196xi1> to vector<49x196xi32>
    %convert_element_type3A_358 = arith.sitofp %convert_element_type3A_357 : vector<49x196xi32> to vector<49x196xf32>
    %dot_general3A_359 = arith.constant dense<0.000000e+00> : vector<49x768xf32>
    %dot_general3A_360 = tpu.matmul %convert_element_type3A_358, %get3A_351, %dot_general3A_359 {dimension_numbers = #tpu.dot_dimension_numbers<[1], [0], [0], [1], [0, 0, 1, 1], [], []>, transpose_lhs_hint = false} : vector<49x196xf32>, vector<196x768xf32>, vector<49x768xf32> -> vector<49x768xf32>
    %swap3A_361 = arith.constant 0 : index
    %swap3A_362 = arith.constant 14 : index
    %swap3A_363 = arith.constant 0 : index
    %swap3A_364 = vector.load %arg3[%swap3A_361, %swap3A_362, %swap3A_363] : memref<49x16x768xf32, #tpu.memory_space<vmem>>, vector<49x1x768xf32>
    %swap3A_365 = vector.shape_cast %swap3A_364 : vector<49x1x768xf32> to vector<49x768xf32>
    %swap3A_366 = vector.shape_cast %dot_general3A_360 : vector<49x768xf32> to vector<49x1x768xf32>
    tpu.vector_store %arg3[%swap3A_361, %swap3A_362, %swap3A_363], %swap3A_366 {strides = array<i32>} : memref<49x16x768xf32, #tpu.memory_space<vmem>>, vector<49x1x768xf32>,
    %get3A_367 = arith.constant 0 : index
    %get3A_368 = arith.constant 15 : index
    %get3A_369 = arith.constant 0 : index
    %get3A_370 = vector.load %arg1[%get3A_367, %get3A_368, %get3A_369] : memref<1x16x196xi32, #tpu.memory_space<vmem>>, vector<1x1x196xi32>
    %get3A_371 = vector.shape_cast %get3A_370 : vector<1x1x196xi32> to vector<196xi32>
    %get3A_372 = arith.constant 0 : index
    %get3A_373 = arith.constant 15 : index
    %get3A_374 = arith.constant 0 : index
    %get3A_375 = vector.load %arg2[%get3A_372, %get3A_373, %get3A_374] : memref<196x16x768xf32, #tpu.memory_space<vmem>>, vector<196x1x768xf32>
    %get3A_376 = vector.shape_cast %get3A_375 : vector<196x1x768xf32> to vector<196x768xf32>
    %slice3A_377 = vector.extract_strided_slice %get3A_371 {offsets = [0], sizes = [49], strides = [1]} : vector<196xi32> to vector<49xi32>
    %broadcast_in_dim3A_378 = vector.shape_cast %slice3A_377 : vector<49xi32> to vector<49x1xi32>
    %iota3A_379 = tpu.iota {dimensions = array<i32: 1>} : vector<49x196xi32>
    %eq3A_380 = vector.broadcast %broadcast_in_dim3A_378 : vector<49x1xi32> to vector<49x196xi32>
    %eq3A_381 = arith.cmpi eq, %eq3A_380, %iota3A_379 : vector<49x196xi32>
    %convert_element_type3A_382 = arith.extui %eq3A_381 : vector<49x196xi1> to vector<49x196xi32>
    %convert_element_type3A_383 = arith.sitofp %convert_element_type3A_382 : vector<49x196xi32> to vector<49x196xf32>
    %dot_general3A_384 = arith.constant dense<0.000000e+00> : vector<49x768xf32>
    %dot_general3A_385 = tpu.matmul %convert_element_type3A_383, %get3A_376, %dot_general3A_384 {dimension_numbers = #tpu.dot_dimension_numbers<[1], [0], [0], [1], [0, 0, 1, 1], [], []>, transpose_lhs_hint = false} : vector<49x196xf32>, vector<196x768xf32>, vector<49x768xf32> -> vector<49x768xf32>
    %swap3A_386 = arith.constant 0 : index
    %swap3A_387 = arith.constant 15 : index
    %swap3A_388 = arith.constant 0 : index
    %swap3A_389 = vector.load %arg3[%swap3A_386, %swap3A_387, %swap3A_388] : memref<49x16x768xf32, #tpu.memory_space<vmem>>, vector<49x1x768xf32>
    %swap3A_390 = vector.shape_cast %swap3A_389 : vector<49x1x768xf32> to vector<49x768xf32>
    %swap3A_391 = vector.shape_cast %dot_general3A_385 : vector<49x768xf32> to vector<49x1x768xf32>
    tpu.vector_store %arg3[%swap3A_386, %swap3A_387, %swap3A_388], %swap3A_391 {strides = array<i32>} : memref<49x16x768xf32, #tpu.memory_space<vmem>>, vector<49x1x768xf32>,
    return
  }
  func.func @transform_0(%arg0: i32) -> (i32, i32, i32) {
    %c0_i32 = arith.constant 0 : i32
    %c0_i32_0 = arith.constant 0 : i32
    %c0_i32_1 = arith.constant 0 : i32
    return %arg0, %c0_i32, %c0_i32_0 : i32, i32, i32
  }
  func.func @transform_1(%arg0: i32) -> (i32, i32, i32) {
    %c0_i32 = arith.constant 0 : i32
    %c0_i32_0 = arith.constant 0 : i32
    %c0_i32_1 = arith.constant 0 : i32
    return %c0_i32, %arg0, %c0_i32_0 : i32, i32, i32
  }
  func.func @transform_2(%arg0: i32) -> (i32, i32, i32) {
    %c0_i32 = arith.constant 0 : i32
    %c0_i32_0 = arith.constant 0 : i32
    %c0_i32_1 = arith.constant 0 : i32
    return %c0_i32, %arg0, %c0_i32_0 : i32, i32, i32
  }
}

</mosaic_0001>

<sc_bundles>
// kernel: kernel.4.cloned.1.call-start
scs
__scs_entry_jumppad:
0x0: {  	(pc) =	sbr.rel $0x88, $3  }
0x1: {  	(tag) =	ssettag $0x0;
	lr =	simm.s32 $0x1  }
0x2: {  	[smem:$0x3FA0] =	sst lr;
	_ =	strace $0xD0000000  }
0x3: {  	_ = 	snop  }
0x4: {  	_ = 	snop  }
0x5: {  	_ = 	snop  }
0x6: {  	_ = 	snop  }
0x7: {  	_ = 	snop  }
__scs_overlays_trampoline_lowered:
0x8: {  	[smem:$0x3FAF] =	sst s0  }
0x9: {  	[smem:$0x3FB0] =	sst s1  }
0xa: {  	[smem:$0x3FB1] =	sst s2  }
0xb: {  	[smem:$0x3FB2] =	sst s3  }
0xc: {  	[smem:$0x3FB3] =	sst s4  }
0xd: {  	[smem:$0x3FB4] =	sst s5  }
0xe: {  	[smem:$0x3FB5] =	sst s6  }
0xf: {  	[smem:$0x3FB6] =	sst s7  }
0x10: {  	[smem:$0x3FB7] =	sst s8  }
0x11: {  	[smem:$0x3FB8] =	sst s9;
	s0 =	simm.s32 @!p0 $0x0  }
0x12: {  	s1 =	sld [smem:$0x3F9E];
	s0 =	simm.s32 @p0 $0x1  }
0x13: {  	[smem:$0x3FB9] =	sst s0;
	s0 =	simm.s32 @!p1 $0x0  }
0x14: {  	s2 =	sld [smem:$0x3F9D];
	s0 =	simm.s32 @p1 $0x1  }
0x15: {  	[smem:$0x3FBA] =	sst s0;
	s0 =	simm.s32 @!p2 $0x0  }
0x16: {  	s3 =	sld [smem:$0x3FDB];
	s0 =	simm.s32 @p2 $0x1  }
0x17: {  	s4 =	simm.s32 $0x1BF5;
	[smem:$0x3FBC] =	sst s0  }
0x18: {  	s0 =	sld [smem:$0x3F9F];
	_ =	swait.ge [sflag:s4], $0x0  }
0x19: {  	s7 =	sld [smem:$0x3FA0]  }
0x1a: {  	s8 =	sadd.s32 $0xFFFFE003, lr  }
0x1b: {  	s9 =	sadd.s32 $0xFFFFFEF7, lr;
	s5 =	simm.s32 $0xFFFFFFFF;
	p2 =	slt.u32 s8, $0xFFFFF086  }
0x1c: {  	p1 =	slt.u32 s9, $0xF7A;
	s5 =	simm.s32 @!p2 $0x0  }
0x1d: {  	s5 =	simm.s32 @p1 $0x1;
	p0 =	seq.s32 s7, s2  }
0x1e: {  	s7 =	smul.u32 @!p0 $0xF7A, s2;
	p2 =	seq.s32 @!p0 s5, $0x0  }
0x1f: {  	s9 =	smul.u32 $0xF7A, s1;
	s8 =	simm.s32 @!p0 $0x1BF5;
	p2 =	por !p2, p0  }
0x20: {  	[sflag:s8] =	ssyncset.s32 @!p0 $0xFFFFF086;
	s6 =	sadd.s32 @!p0 s3, s7;
	s7 =	simm.s32 @!p0 $0x108  }
0x21: {  	s3 =	sadd.s32 s3, s9;
	s6 =	sadd.s32 @!p0 $0x88, s6;
	s7 =	simm.s32 @p2 $0x1082  }
0x22: {  	[simem:s7], [sflag:s8] =	dma.local @!p0 [hbm:s6], $0xF7A  }
0x23: {  	s9 =	sor.u32 $0xD0000000, s2;
	s6 =	simm.s32 $0x108;
	_ =	swait.ge @!p0 [sflag:s8], $0x0  }
0x24: {  	s3 =	sadd.s32 $0x88, s3;
	s6 =	simm.s32 @!p1 $0x1082;
	[sflag:s4] =	ssyncset.s32 $0xFFFFF086  }
0x25: {  	[simem:s6], [sflag:s4] =	dma.local [hbm:s3], $0xF7A  }
0x26: {  	[smem:$0x3FA0] =	sst s1;
	(tag) =	ssettag s2;
	_ =	strace s9  }
0x27: {  	s1 =	sld [smem:$0x3FB0]  }
0x28: {  	s2 =	sld [smem:$0x3FB1]  }
0x29: {  	s4 =	sld [smem:$0x3FB3]  }
0x2a: {  	p0 =	seq.s32 s5, $0x0;
	s5 =	sld [smem:$0x3FB4]  }
0x2b: {  	s6 =	sld [smem:$0x3FB5]  }
0x2c: {  	s7 =	sld [smem:$0x3FB6]  }
0x2d: {  	s3 =	simm.s32 $0x108;
	s8 =	sld [smem:$0x3FB7]  }
0x2e: {  	s3 =	simm.s32 @!p0 $0x1082;
	s9 =	sld [smem:$0x3FB8]  }
0x2f: {  	lr =	sadd.s32 s0, s3;
	s0 =	sld [smem:$0x3FAF]  }
0x30: {  	s3 =	sld [smem:$0x3FB2]  }
0x31: {  	[smem:$0x3FBB] =	sst s10  }
0x32: {  	s10 =	sld [smem:$0x3FB9];
	_ =	sdelay $0x3  }
0x33: {  	p0 =	seq.s32 s10, $0x1;
	s10 =	sld [smem:$0x3FBB];
	_ =	sdelay $0x3  }
0x34: {  	[smem:$0x3FBB] =	sst s10  }
0x35: {  	s10 =	sld [smem:$0x3FBA];
	_ =	sdelay $0x3  }
0x36: {  	p1 =	seq.s32 s10, $0x1;
	s10 =	sld [smem:$0x3FBB];
	_ =	sdelay $0x3  }
0x37: {  	[smem:$0x3FBB] =	sst s10  }
0x38: {  	s10 =	sld [smem:$0x3FBC]  }
0x39: {  	_ = 	snop;
	(pc) =	sbr.ind lr, $3  }
0x3a: {  	_ = 	snop  }
0x3b: {  	_ = 	snop  }
0x3c: {  	p2 =	seq.s32 s10, $0x1;
	s10 =	sld [smem:$0x3FBB]  }
0x3d: {  	_ =	shalt  }
0x3e: {  	_ =	shalt  }
0x3f: {  	_ =	shalt  }
0x40: {  	_ =	shalt  }
0x41: {  	_ =	shalt  }
0x42: {  	_ =	shalt  }
0x43: {  	_ =	shalt  }
0x44: {  	_ =	shalt  }
0x45: {  	_ =	shalt  }
0x46: {  	_ =	shalt  }
0x47: {  	_ =	shalt  }
0x48: {  	_ =	shalt  }
0x49: {  	_ =	shalt  }
0x4a: {  	_ =	shalt  }
0x4b: {  	_ =	shalt  }
0x4c: {  	_ =	shalt  }
0x4d: {  	_ =	shalt  }
0x4e: {  	_ =	shalt  }
0x4f: {  	_ =	shalt  }
0x50: {  	_ =	shalt  }
0x51: {  	_ =	shalt  }
0x52: {  	_ =	shalt  }
0x53: {  	_ =	shalt  }
0x54: {  	_ =	shalt  }
0x55: {  	_ =	shalt  }
0x56: {  	_ =	shalt  }
0x57: {  	_ =	shalt  }
0x58: {  	_ =	shalt  }
0x59: {  	_ =	shalt  }
0x5a: {  	_ =	shalt  }
0x5b: {  	_ =	shalt  }
0x5c: {  	_ =	shalt  }
0x5d: {  	_ =	shalt  }
0x5e: {  	_ =	shalt  }
0x5f: {  	_ =	shalt  }
0x60: {  	_ =	shalt  }
0x61: {  	_ =	shalt  }
0x62: {  	_ =	shalt  }
0x63: {  	_ =	shalt  }
0x64: {  	_ =	shalt  }
0x65: {  	_ =	shalt  }
0x66: {  	_ =	shalt  }
0x67: {  	_ =	shalt  }
0x68: {  	_ =	shalt  }
0x69: {  	_ =	shalt  }
0x6a: {  	_ =	shalt  }
0x6b: {  	_ =	shalt  }
0x6c: {  	_ =	shalt  }
0x6d: {  	_ =	shalt  }
0x6e: {  	_ =	shalt  }
0x6f: {  	_ =	shalt  }
0x70: {  	_ =	shalt  }
0x71: {  	_ =	shalt  }
0x72: {  	_ =	shalt  }
0x73: {  	_ =	shalt  }
0x74: {  	_ =	shalt  }
0x75: {  	_ =	shalt  }
0x76: {  	_ =	shalt  }
0x77: {  	_ =	shalt  }
0x78: {  	_ =	shalt  }
0x79: {  	_ =	shalt  }
0x7a: {  	_ =	shalt  }
0x7b: {  	_ =	shalt  }
0x7c: {  	_ =	shalt  }
0x7d: {  	_ =	shalt  }
0x7e: {  	_ =	shalt  }
0x7f: {  	_ =	shalt  }
0x80: {  	_ =	shalt  }
0x81: {  	_ =	shalt  }
0x82: {  	_ =	shalt  }
0x83: {  	_ =	shalt  }
0x84: {  	_ =	shalt  }
0x85: {  	_ =	shalt  }
0x86: {  	_ =	shalt  }
0x87: {  	_ =	shalt  }
.Lfunc_end0:
.L_simem_size_0:
called_computation_lowered:
.L_overlay_start_0:
0x88: {  	s2 =	sld [smem:$0x3FD9]  }
0x89: {  	s3 =	sld [smem:$0x3FFE];
	_ =	sdelay $0x1  }
0x8a: {  	s1 =	srdreg.scid  }
0x8b: {  	s0 =	sand.u32 $0x1, s1  }
0x8c: {  	s14 =	sshll.u32 s0, $0xA;
	s2 =	sadd.s32 s3, s2  }
0x8d: {  	s2 =	sadd.s32 s2, s14  }
0x8e: {  	[smem:$0x3FC7] =	sst s2  }
0x8f: {  	_ = 	snop  }
0x90: {  	s2 =	sld [smem:$0x3FD0];
	_ =	sdelay $0x2  }
0x91: {  	s4 =	simm.s32 $0xA;
	s5 =	simm.s32 $0x10;
	s15 =	sld [smem:$0x3FC9]  }
0x92: {  	[smem:s5], [sflag:s4] =	dma.local [hbm:s2], $0x1  }
0x93: {  	_ =	swait.eq [sflag:s4], $0x1  }
0x94: {  	[sflag:s4] =	ssyncset.done $0x0  }
0x95: {  	[sflag:s4] =	ssyncadd.s32 $0xFFFFFFFF  }
0x96: {  	s16 =	sld [smem:$0x11];
	(tm) =	ssettm $0x1  }
0x97: {  	s17 =	sld [smem:$0x3FFB];
	_ =	sdelay $0x3  }
0x98: {  	_ =	strace s17  }
0x99: {  	s4 =	sld [smem:$0x3FFC];
	_ =	sdelay $0x3  }
0x9a: {  	_ =	strace s4  }
0x9b: {  	s4 =	sld [smem:$0x3FFD];
	_ =	sdelay $0x3  }
0x9c: {  	_ =	strace s4  }
0x9d: {  	_ =	strace $0x8FFFFFFF  }
0x9e: {  	s18 =	sld [smem:$0x3FDB];
	_ =	sdelay $0x1  }
0x9f: {  	s19 =	simm.s32 $_scs_section_size  }
0xa0: {  	s6 =	simm.s32 $_size__tile_overlayer_lowered;
	s7 =	simm.s32 $_tile_overlayer_lowered  }
0xa1: {  	s22 =	simm.s32 $0x1BFF;
	s21 =	sshll.u32 s7, $0x1;
	s4 =	sadd.s32 s19, s18  }
0xa2: {  	s8 =	simm.s32 $0x0;
	s20 =	sshll.u32 s6, $0x1;
	s6 =	sadd.s32 s21, s4  }
0xa3: {  	[timem:s8], [sflag:s22] =	dma.local [hbm:s6], s20  }
0xa4: {  	_ =	swait.ge [sflag:s22], s20  }
0xa5: {  	s5 =	ssub.s32 $0x0, s20;
	[sflag:s22] =	ssyncset.done $0x0  }
0xa6: {  	[sflag:s22] =	ssyncadd.s32 s5;
	_ =	sdelay $0x1  }
0xa7: {  	s23 =	simm.s32 $0x1B8B  }
0xa8: {  	_ =	swait.ge [sflag:s23], $0x1  }
0xa9: {  	[sflag:s23] =	ssyncset.done $0x0  }
0xaa: {  	s25 =	simm.s32 $0x1B8E;
	s24 =	sld [smem:$0x3FFE];
	[sflag:s23] =	ssyncadd.s32 $0xFFFFFFFF  }
0xab: {  	s26 =	simm.s32 $execute0_lowered;
	[smem:$0x3FD2] =	sst s25  }
0xac: {  	s6 =	sshll.u32 s26, $0x1;
	_ =	strace $0x80000046;
	[dreg:$0x1] =	wrdreg $0xFFFFFFFF  }
0xad: {  	s28 =	simm.s32 $_size_execute0_lowered;
	s4 =	sadd.s32 s4, s6;
	[dreg:$0x0] =	wrdreg $0x0  }
0xae: {  	s6 =	sshll.u32 s28, $0x1;
	[dreg:$0x2] =	wrdreg s4  }
0xaf: {  	[dreg:$0x3] =	wrdreg s6  }
0xb0: {  	[dreg:$0x4] =	wrdreg $0xC0  }
0xb1: {  	_ =	task [dreg:s8], $0x5FFFF  }
0xb2: {  	[dreg:$0x1] =	wrdreg $0xFFFFFFFF  }
0xb3: {  	[dreg:$0x0] =	wrdreg $0x60  }
0xb4: {  	[dreg:$0x2] =	wrdreg s24  }
0xb5: {  	[dreg:$0x3] =	wrdreg s15  }
0xb6: {  	[dreg:$0x4] =	wrdreg s16  }
0xb7: {  	[dreg:$0x5] =	wrdreg $0x9  }
0xb8: {  	_ =	task.clear_ibuf [dreg:s8], $0x6FFFF;
	_ =	strace $0x90000046  }
0xb9: {  	s29 =	simm.s32 $0x9;
	_ =	strace $0x80000048  }
0xba: {  	_ =	swait.ge [sflag:s29], $0x1  }
0xbb: {  	[sflag:s29] =	ssyncadd.s32 $0xFFFFFFFF  }
0xbc: {  	_ =	strace $0x90000048  }
0xbd: {  	_ =	sfence  }
0xbe: {  	s30 =	sld [smem:$0x0];
	_ =	sdelay $0x2  }
0xbf: {  	s31 =	sshll.u32 s1, $0xD;
	s1 =	sshrl.u32 s1, $0x2  }
0xc0: {  	s3 =	sand.u32 $0x4000, s31;
	s1 =	sadd.s32 s1, s30  }
0xc1: {  	s0 =	sor.u32 s3, s0;
	s1 =	sshll.u32 s1, $0x11  }
0xc2: {  	s0 =	sor.u32 s1, s0  }
0xc3: {  	s0 =	sadd.s32 $0x8F2B, s0  }
0xc4: {  	[sflag:s0] =	ssyncadd.remote.s32 $0x1  }
0xc5: {  	_ =	sfence.sel $0xFFFF  }
0xc6: {  	[dreg:$0x0] =	wrdreg $0xFFFFFFFF;
	(pc) =	sbr.abs _section_cstart, $3  }
0xc7: {  	[dreg:$0x1] =	wrdreg $0xFFFFFFFF  }
0xc8: {  	_ =	task.clear_ibuf [dreg:s8], $0x2FFFF;
	_ =	strace $0x9FFFFFFF  }
0xc9: {  	(tm) =	ssettm $0x7FFFFFFF  }
tec
execute0_lowered:
.L_overlay_start_1:
0x0: {  	(tag) =	ssettag $0x1  }
0x1: {  	s0 =	srdreg.scid;
	s1 =	rddreg [dreg:$0x0]  }
0x2: {  	s6 =	stileid.u32;
	s2 =	rddreg [dreg:$0x1]  }
0x3: {  	s4 =	rddreg [dreg:$0x2];
	s31 =	simm.s32 $0xDD00;
	s28 =	simm.s32 $0x12500  }
0x4: {  	s0 =	sand.u32 $0x1, s0;
	s3 =	sshll.u32 s6, $0x1;
	s6 =	smul.u32 $0x930, s6  }
0x5: {  	s3 =	sor.u32 s0, s3;
	s7 =	ssub.s32 $0x2, s0;
	s0 =	smul.u32 $0x498, s0  }
0x6: {  	s30 =	simm.s32 $0x3;
	s5 =	smul.u32 $0x498, s3;
	s3 =	simm.s32 $0x0  }
0x7: {  	s29 =	simm.s32 $0xB;
	s8 =	sshrl.u32 s7, $0x1;
	[smem:$0x7FF] =	sst s3  }
0x8: {  	s7 =	ssub.s32 s7, s8;
	s0 =	sadd.s32 s0, s6;
	s6 =	sadd.s32 $0x200, s2  }
0x9: {  	_ =	strace $0x80000047;
	s5 =	sshrl.u32 s5, $0x3;
	s16 =	sadd.s32 $0x60, s0  }
0xa: {  	s17 =	sadd.s32 $0x78, s0;
	s9 =	sadd.s32 $0x90, s0;
	s7 =	smax.u32 s7, $0x1  }
0xb: {  	s20 =	sshrl.u32 s0, $0x3;
	s10 =	sadd.s32 $0x18, s0;
	s22 =	sadd.s32 $0x48, s0  }
0xc: {  	s24 =	sadd.s32 $0x30, s0;
	s0 =	sadd.s32 $0x3100, s0;
	s1 =	sadd.s32 s1, s5  }
0xd: {  	s5 =	sadd.s32 $0x100, s2;
	s8 =	sshrl.u32 s17, $0x3;
	[dreg:$0x5] =	wrdreg s7  }
0xe: {  	s19 =	sshrl.u32 s9, $0x3;
	s12 =	smul.u32 $0x300, s20;
	s21 =	sshrl.u32 s10, $0x3  }
0xf: {  	s23 =	sshrl.u32 s22, $0x3;
	[dreg:$0x6] =	wrdreg s0;
	s18 =	smul.u32 $0x300, s8  }
0x10: {  	s11 =	sshrl.u32 s24, $0x3;
	s0 =	simm.s32 $0x16D00;
	s8 =	smul.u32 $0x300, s19  }
0x11: {  	s22 =	simm.s32 $0x4;
	s20 =	simm.s32 $0x6;
	s13 =	smul.u32 $0x300, s21  }
0x12: {  	s24 =	simm.s32 $0x7;
	s1 =	sadd.s32 $0x1020, s1;
	s25 =	smul.u32 $0x300, s23  }
0x13: {  	s26 =	smul.u32 $0x300, s11;
	s19 =	simm.s32 $0x1ED00;
	s21 =	simm.s32 $0x1F500  }
0x14: {  	s23 =	simm.s32 $0x5;
	[dreg:$0x4] =	wrdreg s1;
	s1 =	sshrl.u32 s16, $0x3  }
.Ltmp0:
0x15: {  	s12 =	sadd.s32 s12, s4;
	s16 =	simm.s32 $0x0;
	(pc) =	sbr.rel .LBB2_1-.Ltmp0, $4  }
0x16: {  	s1 =	smul.u32 $0x300, s1;
	s10 =	sadd.s32 s18, s4;
	s11 =	sadd.s32 s8, s4  }
0x17: {  	v0 =	vlaneseq.u32;
	s13 =	sadd.s32 s13, s4;
	s14 =	sadd.s32 s25, s4;
	s15 =	sadd.s32 s26, s4  }
0x18: {  	vm0 =	vmmov $0xffff;
	v2 =	vshrl.u32 v0, $0x3;
	s25 =	simm.s32 $0x1;
	s26 =	simm.s32 $0x1DD00;
	s18 =	simm.s32 $0x1E500  }
0x19: {  	v1 =	vand.u32 $0x7, v0;
	v3 =	vor.u32 $0x8, v0;
	v2 =	vmul.u32 $0x8, v2;
	s9 =	sadd.s32 s1, s4;
	s1 =	simm.s32 $0x2;
	s4 =	simm.s32 $0x1B500  }
.LBB2_6:
0x1a: {  	s7 =	simm.s32 $0x8  }
0x1b: {  	_ =	swait.ge [sflag:s7], $0x4800  }
0x1c: {  	[sflag:s7] =	ssyncset.done $0x0  }
0x1d: {  	s16 =	simm.s32 $0x9;
	[sflag:s7] =	ssyncadd.s32 $0xFFFFB800  }
0x1e: {  	_ =	swait.ge [sflag:s16], $0x4800  }
0x1f: {  	[sflag:s16] =	ssyncset.done $0x0  }
0x20: {  	s17 =	simm.s32 $0xA;
	[sflag:s16] =	ssyncadd.s32 $0xFFFFB800  }
0x21: {  	_ =	swait.ge [sflag:s17], $0x4800  }
0x22: {  	[sflag:s17] =	ssyncset.done $0x0  }
0x23: {  	[sflag:s17] =	ssyncadd.s32 $0xFFFFB800  }
0x24: {  	_ =	swait.ge [sflag:s29], $0x4800  }
0x25: {  	[sflag:s29] =	ssyncset.done $0x0  }
0x26: {  	s8 =	simm.s32 $0xC;
	[sflag:s29] =	ssyncadd.s32 $0xFFFFB800  }
0x27: {  	_ =	swait.ge [sflag:s8], $0x4800  }
0x28: {  	[sflag:s8] =	ssyncset.done $0x0  }
0x29: {  	s16 =	simm.s32 $0xD;
	[sflag:s8] =	ssyncadd.s32 $0xFFFFB800  }
0x2a: {  	_ =	swait.ge [sflag:s16], $0x4800  }
0x2b: {  	[sflag:s16] =	ssyncset.done $0x0  }
0x2c: {  	s8 =	simm.s32 $0xE;
	[sflag:s16] =	ssyncadd.s32 $0xFFFFB800  }
0x2d: {  	_ =	swait.ge [sflag:s8], $0x4800  }
0x2e: {  	s16 =	rddreg [dreg:$0x7]  }
0x2f: {  	s17 =	rddreg [dreg:$0x5];
	s16 =	sadd.s32 $0x1, s16  }
0x30: {  	p0 =	sne.s32 s16, s17  }
.Ltmp1:
0x31: {  	_ = 	snop;
	(pc) =	sbr.rel @!p0 .LBB2_7-.Ltmp1, $3  }
0x32: {  	_ =	sdelay $0x1  }
0x33: {  	[sflag:s8] =	ssyncset.done $0x0  }
0x34: {  	[sflag:s8] =	ssyncadd.s32 $0xFFFFB800  }
.LBB2_1:
0x35: {  	[dreg:$0x7] =	wrdreg s16  }
0x36: {  	s7 =	rddreg [dreg:$0x4];
	s17 =	simm.s32 $0xF  }
0x37: {  	[tilespmem:s3], [sflag:$0xF] =	stream.linear.gather [hbm4b:s7+s3], $0x4A0, $0x38;
	[tilespmem:$0x1FD00] =	vst v63  }
0x38: {  	_ =	swait.ge [sflag:s17], $0x4A0  }
0x39: {  	s16 =	simm.s32 $0x40;
	[sflag:s17] =	ssyncset.done $0x0  }
0x3a: {  	s7 =	simm.s32 $0x0;
	s8 =	rddreg [dreg:$0x6];
	[sflag:s17] =	ssyncadd.s32 $0xFFFFFB60  }
.LBB2_2:
0x3b: {  	p0 =	sne.s32 s16, $0x1240;
	v4 =	vld [tilespmem:s7+$0x0];
	v5 =	vadd.s32 s8, v0  }
0x3c: {  	v6 =	vshra.s32 v5, $0x1F  }
0x3d: {  	v6 =	vshrl.u32 v6, $0x18  }
.Ltmp2:
0x3e: {  	v6 =	vadd.s32 v6, v5;
	(pc) =	sbr.rel @p0 .LBB2_2-.Ltmp2, $4  }
0x3f: {  	v6 =	vand.u32 $0xFFFFFF00, v6  }
0x40: {  	v4 =	vshll.u32 v4, $0x8;
	v5 =	vsub.s32 v5, v6  }
0x41: {  	v4 =	vadd.s32 v5, v4  }
0x42: {  	s8 =	sadd.s32 $0x10, s8;
	[tilespmem:s7+$0x0] =	vst v4;
	s7 =	sshra.s32 s16, $0x2;
	s16 =	sadd.s32 $0x40, s16  }
0x43: {  	v4 =	vld [tilespmem:s7+$0x0];
	v5 =	vadd.s32 s8, v0  }
0x44: {  	v6 =	vshra.s32 v5, $0x1F  }
0x45: {  	v6 =	vshrl.u32 v6, $0x18  }
0x46: {  	v6 =	vadd.s32 v6, v5  }
0x47: {  	v6 =	vand.u32 $0xFFFFFF00, v6  }
0x48: {  	v4 =	vshll.u32 v4, $0x8;
	v5 =	vsub.s32 v5, v6  }
0x49: {  	v4 =	vadd.s32 v5, v4  }
0x4a: {  	[tilespmem:s7+$0x0] =	vst v4  }
0x4b: {  	v4 =	vld [tilespmem:$0x0];
	_ =	sdelay $0x4  }
0x4c: {  	v5 =	vshrl.u32 v4, $0x3  }
0x4d: {  	v5 =	vmul.u32 $0x30, v5  }
0x4e: {  	v4 =	vand.u32 $0x7, v4  }
0x4f: {  	v4 =	vor.u32 v4, v5  }
0x50: {  	v5 =	vperm.xlane v4, v1;
	_ =	sdelay $0x1  }
0x51: {  	v5 =	vadd.s32 v2, v5;
	_ =	sdelay $0x3  }
0x52: {  	s17 =	simm.s32 $0x500;
	s7 =	simm.s32 $0x0;
	v4 =	vperm.xlane v4, v3  }
0x53: {  	[tilespmem:s17], [sflag:$0x1] =	stream.indirect_vreg.gather [hbm4b:s2+s7], $0x80, v5, vm0, $0xb8;
	[tilespmem:$0x1FD00] =	vst v63  }
0x54: {  	s16 =	simm.s32 $0xD00;
	v4 =	vadd.s32 v2, v4  }
0x55: {  	[tilespmem:s16], [sflag:$0x1] =	stream.indirect_vreg.gather [hbm4b:s5+s7], $0x80, v5, vm0, $0xb8;
	[tilespmem:$0x1FD00] =	vst v63  }
0x56: {  	s17 =	simm.s32 $0x1500  }
0x57: {  	[tilespmem:s17], [sflag:$0x1] =	stream.indirect_vreg.gather [hbm4b:s6+s7], $0x80, v5, vm0, $0xb8;
	[tilespmem:$0x1FD00] =	vst v63  }
0x58: {  	s16 =	simm.s32 $0x1D00  }
0x59: {  	[tilespmem:s16], [sflag:$0x1] =	stream.indirect_vreg.gather [hbm4b:s2+s7], $0x80, v4, vm0, $0xb8;
	[tilespmem:$0x1FD00] =	vst v63  }
0x5a: {  	s17 =	simm.s32 $0x2500  }
0x5b: {  	[tilespmem:s17], [sflag:$0x1] =	stream.indirect_vreg.gather [hbm4b:s5+s7], $0x80, v4, vm0, $0xb8;
	[tilespmem:$0x1FD00] =	vst v63  }
0x5c: {  	s16 =	simm.s32 $0x2D00  }
0x5d: {  	[tilespmem:s16], [sflag:$0x1] =	stream.indirect_vreg.gather [hbm4b:s6+s7], $0x80, v4, vm0, $0xb8;
	[tilespmem:$0x1FD00] =	vst v63  }
0x5e: {  	v4 =	vld.msk [tilespmem:$0x10], $0xff;
	_ =	sdelay $0x4  }
0x5f: {  	v5 =	vshrl.u32 v4, $0x3  }
0x60: {  	v5 =	vmul.u32 $0x30, v5  }
0x61: {  	v4 =	vand.u32 $0x7, v4  }
0x62: {  	v4 =	vor.u32 v4, v5  }
0x63: {  	v4 =	vperm.xlane v4, v1;
	_ =	sdelay $0x1  }
0x64: {  	v4 =	vadd.s32 v2, v4;
	_ =	sdelay $0x3  }
0x65: {  	s17 =	simm.s32 $0x3500  }
0x66: {  	[tilespmem:s17], [sflag:$0x1] =	stream.indirect_vreg.gather [hbm4b:s2+s7], $0x80, v4, vm0, $0xb8;
	[tilespmem:$0x1FD00] =	vst v63  }
0x67: {  	s16 =	simm.s32 $0x3D00  }
0x68: {  	[tilespmem:s16], [sflag:$0x1] =	stream.indirect_vreg.gather [hbm4b:s5+s7], $0x80, v4, vm0, $0xb8;
	[tilespmem:$0x1FD00] =	vst v63  }
0x69: {  	s17 =	simm.s32 $0x4500  }
0x6a: {  	[tilespmem:s17], [sflag:$0x1] =	stream.indirect_vreg.gather [hbm4b:s6+s7], $0x80, v4, vm0, $0xb8;
	[tilespmem:$0x1FD00] =	vst v63  }
0x6b: {  	v4 =	vld [tilespmem:$0x18];
	_ =	sdelay $0x4  }
0x6c: {  	v5 =	vshrl.u32 v4, $0x3  }
0x6d: {  	v5 =	vmul.u32 $0x30, v5  }
0x6e: {  	v4 =	vand.u32 $0x7, v4  }
0x6f: {  	v4 =	vor.u32 v4, v5  }
0x70: {  	v5 =	vperm.xlane v4, v1;
	_ =	sdelay $0x1  }
0x71: {  	v5 =	vadd.s32 v2, v5;
	_ =	sdelay $0x3  }
0x72: {  	s16 =	simm.s32 $0x4D00;
	v4 =	vperm.xlane v4, v3  }
0x73: {  	[tilespmem:s16], [sflag:$0x2] =	stream.indirect_vreg.gather [hbm4b:s2+s7], $0x80, v5, vm0, $0xb8;
	[tilespmem:$0x1FD00] =	vst v63  }
0x74: {  	s17 =	simm.s32 $0x5500;
	v4 =	vadd.s32 v2, v4  }
0x75: {  	[tilespmem:s17], [sflag:$0x2] =	stream.indirect_vreg.gather [hbm4b:s5+s7], $0x80, v5, vm0, $0xb8;
	[tilespmem:$0x1FD00] =	vst v63  }
0x76: {  	s16 =	simm.s32 $0x5D00  }
0x77: {  	[tilespmem:s16], [sflag:$0x2] =	stream.indirect_vreg.gather [hbm4b:s6+s7], $0x80, v5, vm0, $0xb8;
	[tilespmem:$0x1FD00] =	vst v63  }
0x78: {  	s17 =	simm.s32 $0x6500  }
0x79: {  	[tilespmem:s17], [sflag:$0x2] =	stream.indirect_vreg.gather [hbm4b:s2+s7], $0x80, v4, vm0, $0xb8;
	[tilespmem:$0x1FD00] =	vst v63  }
0x7a: {  	s16 =	simm.s32 $0x6D00  }
0x7b: {  	[tilespmem:s16], [sflag:$0x2] =	stream.indirect_vreg.gather [hbm4b:s5+s7], $0x80, v4, vm0, $0xb8;
	[tilespmem:$0x1FD00] =	vst v63  }
0x7c: {  	s17 =	simm.s32 $0x7500  }
0x7d: {  	[tilespmem:s17], [sflag:$0x2] =	stream.indirect_vreg.gather [hbm4b:s6+s7], $0x80, v4, vm0, $0xb8;
	[tilespmem:$0x1FD00] =	vst v63  }
0x7e: {  	v4 =	vld.msk [tilespmem:$0x28], $0xff;
	_ =	sdelay $0x4  }
0x7f: {  	v5 =	vshrl.u32 v4, $0x3  }
0x80: {  	v5 =	vmul.u32 $0x30, v5  }
0x81: {  	v4 =	vand.u32 $0x7, v4  }
0x82: {  	v4 =	vor.u32 v4, v5  }
0x83: {  	v4 =	vperm.xlane v4, v1;
	_ =	sdelay $0x1  }
0x84: {  	v4 =	vadd.s32 v2, v4;
	_ =	sdelay $0x3  }
0x85: {  	s16 =	simm.s32 $0x7D00  }
0x86: {  	[tilespmem:s16], [sflag:$0x2] =	stream.indirect_vreg.gather [hbm4b:s2+s7], $0x80, v4, vm0, $0xb8;
	[tilespmem:$0x1FD00] =	vst v63  }
0x87: {  	s17 =	simm.s32 $0x8500  }
0x88: {  	[tilespmem:s17], [sflag:$0x2] =	stream.indirect_vreg.gather [hbm4b:s5+s7], $0x80, v4, vm0, $0xb8;
	[tilespmem:$0x1FD00] =	vst v63  }
0x89: {  	s16 =	simm.s32 $0x8D00  }
0x8a: {  	[tilespmem:s16], [sflag:$0x2] =	stream.indirect_vreg.gather [hbm4b:s6+s7], $0x80, v4, vm0, $0xb8;
	[tilespmem:$0x1FD00] =	vst v63  }
0x8b: {  	v4 =	vld [tilespmem:$0x30];
	_ =	sdelay $0x4  }
0x8c: {  	v5 =	vshrl.u32 v4, $0x3  }
0x8d: {  	v5 =	vmul.u32 $0x30, v5  }
0x8e: {  	v4 =	vand.u32 $0x7, v4  }
0x8f: {  	v4 =	vor.u32 v4, v5  }
0x90: {  	v5 =	vperm.xlane v4, v1;
	_ =	sdelay $0x1  }
0x91: {  	v5 =	vadd.s32 v2, v5;
	_ =	sdelay $0x3  }
0x92: {  	s17 =	simm.s32 $0x9500;
	v4 =	vperm.xlane v4, v3  }
0x93: {  	[tilespmem:s17], [sflag:$0x3] =	stream.indirect_vreg.gather [hbm4b:s2+s7], $0x80, v5, vm0, $0xb8;
	[tilespmem:$0x1FD00] =	vst v63  }
0x94: {  	s16 =	simm.s32 $0x9D00;
	v4 =	vadd.s32 v2, v4  }
0x95: {  	[tilespmem:s16], [sflag:$0x3] =	stream.indirect_vreg.gather [hbm4b:s5+s7], $0x80, v5, vm0, $0xb8;
	[tilespmem:$0x1FD00] =	vst v63  }
0x96: {  	s17 =	simm.s32 $0xA500  }
0x97: {  	[tilespmem:s17], [sflag:$0x3] =	stream.indirect_vreg.gather [hbm4b:s6+s7], $0x80, v5, vm0, $0xb8;
	[tilespmem:$0x1FD00] =	vst v63  }
0x98: {  	s16 =	simm.s32 $0xAD00  }
0x99: {  	[tilespmem:s16], [sflag:$0x3] =	stream.indirect_vreg.gather [hbm4b:s2+s7], $0x80, v4, vm0, $0xb8;
	[tilespmem:$0x1FD00] =	vst v63  }
0x9a: {  	s17 =	simm.s32 $0xB500  }
0x9b: {  	[tilespmem:s17], [sflag:$0x3] =	stream.indirect_vreg.gather [hbm4b:s5+s7], $0x80, v4, vm0, $0xb8;
	[tilespmem:$0x1FD00] =	vst v63  }
0x9c: {  	s16 =	simm.s32 $0xBD00  }
0x9d: {  	[tilespmem:s16], [sflag:$0x3] =	stream.indirect_vreg.gather [hbm4b:s6+s7], $0x80, v4, vm0, $0xb8;
	[tilespmem:$0x1FD00] =	vst v63  }
0x9e: {  	v4 =	vld.msk [tilespmem:$0x40], $0xff;
	_ =	sdelay $0x4  }
0x9f: {  	v5 =	vshrl.u32 v4, $0x3  }
0xa0: {  	v5 =	vmul.u32 $0x30, v5  }
0xa1: {  	v4 =	vand.u32 $0x7, v4  }
0xa2: {  	v4 =	vor.u32 v4, v5  }
0xa3: {  	v4 =	vperm.xlane v4, v1;
	_ =	sdelay $0x1  }
0xa4: {  	v4 =	vadd.s32 v2, v4;
	_ =	sdelay $0x3  }
0xa5: {  	s17 =	simm.s32 $0xC500  }
0xa6: {  	[tilespmem:s17], [sflag:$0x3] =	stream.indirect_vreg.gather [hbm4b:s2+s7], $0x80, v4, vm0, $0xb8;
	[tilespmem:$0x1FD00] =	vst v63  }
0xa7: {  	s16 =	simm.s32 $0xCD00  }
0xa8: {  	[tilespmem:s16], [sflag:$0x3] =	stream.indirect_vreg.gather [hbm4b:s5+s7], $0x80, v4, vm0, $0xb8;
	[tilespmem:$0x1FD00] =	vst v63  }
0xa9: {  	s17 =	simm.s32 $0xD500  }
0xaa: {  	[tilespmem:s17], [sflag:$0x3] =	stream.indirect_vreg.gather [hbm4b:s6+s7], $0x80, v4, vm0, $0xb8;
	[tilespmem:$0x1FD00] =	vst v63  }
0xab: {  	v4 =	vld [tilespmem:$0x48];
	_ =	sdelay $0x4  }
0xac: {  	v5 =	vshrl.u32 v4, $0x3  }
0xad: {  	v5 =	vmul.u32 $0x30, v5  }
0xae: {  	v4 =	vand.u32 $0x7, v4  }
0xaf: {  	v4 =	vor.u32 v4, v5  }
0xb0: {  	v5 =	vperm.xlane v4, v1;
	_ =	sdelay $0x1  }
0xb1: {  	v5 =	vadd.s32 v2, v5;
	_ =	sdelay $0x3  }
0xb2: {  	v4 =	vperm.xlane v4, v3  }
0xb3: {  	[tilespmem:s31], [sflag:$0x4] =	stream.indirect_vreg.gather [hbm4b:s2+s7], $0x80, v5, vm0, $0xb8;
	[tilespmem:$0x1FD00] =	vst v63  }
0xb4: {  	s16 =	simm.s32 $0xE500;
	v4 =	vadd.s32 v2, v4  }
0xb5: {  	[tilespmem:s16], [sflag:$0x4] =	stream.indirect_vreg.gather [hbm4b:s5+s7], $0x80, v5, vm0, $0xb8;
	[tilespmem:$0x1FD00] =	vst v63  }
0xb6: {  	s17 =	simm.s32 $0xED00  }
0xb7: {  	[tilespmem:s17], [sflag:$0x4] =	stream.indirect_vreg.gather [hbm4b:s6+s7], $0x80, v5, vm0, $0xb8;
	[tilespmem:$0x1FD00] =	vst v63  }
0xb8: {  	s16 =	simm.s32 $0xF500  }
0xb9: {  	[tilespmem:s16], [sflag:$0x4] =	stream.indirect_vreg.gather [hbm4b:s2+s7], $0x80, v4, vm0, $0xb8;
	[tilespmem:$0x1FD00] =	vst v63  }
0xba: {  	s17 =	simm.s32 $0xFD00  }
0xbb: {  	[tilespmem:s17], [sflag:$0x4] =	stream.indirect_vreg.gather [hbm4b:s5+s7], $0x80, v4, vm0, $0xb8;
	[tilespmem:$0x1FD00] =	vst v63  }
0xbc: {  	s16 =	simm.s32 $0x10500  }
0xbd: {  	[tilespmem:s16], [sflag:$0x4] =	stream.indirect_vreg.gather [hbm4b:s6+s7], $0x80, v4, vm0, $0xb8;
	[tilespmem:$0x1FD00] =	vst v63  }
0xbe: {  	v4 =	vld.msk [tilespmem:$0x58], $0xff;
	_ =	sdelay $0x4  }
0xbf: {  	v5 =	vshrl.u32 v4, $0x3  }
0xc0: {  	v5 =	vmul.u32 $0x30, v5  }
0xc1: {  	v4 =	vand.u32 $0x7, v4  }
0xc2: {  	v4 =	vor.u32 v4, v5  }
0xc3: {  	v4 =	vperm.xlane v4, v1;
	_ =	sdelay $0x1  }
0xc4: {  	v4 =	vadd.s32 v2, v4;
	_ =	sdelay $0x3  }
0xc5: {  	s17 =	simm.s32 $0x10D00  }
0xc6: {  	[tilespmem:s17], [sflag:$0x4] =	stream.indirect_vreg.gather [hbm4b:s2+s7], $0x80, v4, vm0, $0xb8;
	[tilespmem:$0x1FD00] =	vst v63  }
0xc7: {  	s16 =	simm.s32 $0x11500  }
0xc8: {  	[tilespmem:s16], [sflag:$0x4] =	stream.indirect_vreg.gather [hbm4b:s5+s7], $0x80, v4, vm0, $0xb8;
	[tilespmem:$0x1FD00] =	vst v63  }
0xc9: {  	s8 =	simm.s32 $0x88;
	s17 =	simm.s32 $0x11D00  }
0xca: {  	[tilespmem:s17], [sflag:$0x4] =	stream.indirect_vreg.gather [hbm4b:s6+s7], $0x80, v4, vm0, $0xb8;
	[tilespmem:$0x1FD00] =	vst v63  }
.LBB2_4:
0xcb: {  	_ =	swait.ge [sflag:s25], $0x4800  }
0xcc: {  	s16 =	sadd.s32 s7, s12;
	[sflag:s25] =	ssyncset.done $0x0  }
0xcd: {  	s17 =	simm.s32 $0x500;
	p0 =	seq.s32 s7, $0x0;
	[sflag:s25] =	ssyncadd.s32 $0xFFFFB800  }
0xce: {  	[hbm4b:s16+s3] =	stream.linear.scatter [tilespmem:s17], [sflag:$0x8], $0x4800, $0x38;
	[tilespmem:$0x1FD00] =	vst v63  }
0xcf: {  	s16 =	simm.s32 @!p0 $0xC  }
0xd0: {  	_ =	swait.ge @!p0 [sflag:s16], $0x4800  }
0xd1: {  	[sflag:s16] =	ssyncset.done @!p0 $0x0  }
0xd2: {  	[sflag:s16] =	ssyncadd.s32 @!p0 $0xFFFFB800  }
0xd3: {  	v4 =	vld [tilespmem:s8+$0xFFFFFFD8];
	_ =	sdelay $0x4  }
0xd4: {  	v5 =	vshrl.u32 v4, $0x3  }
0xd5: {  	v5 =	vmul.u32 $0x30, v5  }
0xd6: {  	v4 =	vand.u32 $0x7, v4  }
0xd7: {  	v4 =	vor.u32 v4, v5  }
0xd8: {  	v5 =	vperm.xlane v4, v1;
	_ =	sdelay $0x1  }
0xd9: {  	v5 =	vadd.s32 v2, v5;
	_ =	sdelay $0x3  }
0xda: {  	v4 =	vperm.xlane v4, v3  }
0xdb: {  	[tilespmem:s28], [sflag:$0x5] =	stream.indirect_vreg.gather [hbm4b:s2+s3], $0x80, v5, vm0, $0xb8;
	[tilespmem:$0x1FD00] =	vst v63  }
0xdc: {  	s17 =	simm.s32 $0x12D00;
	v4 =	vadd.s32 v2, v4  }
0xdd: {  	[tilespmem:s17], [sflag:$0x5] =	stream.indirect_vreg.gather [hbm4b:s5+s3], $0x80, v5, vm0, $0xb8;
	[tilespmem:$0x1FD00] =	vst v63  }
0xde: {  	s17 =	simm.s32 $0x13500  }
0xdf: {  	[tilespmem:s17], [sflag:$0x5] =	stream.indirect_vreg.gather [hbm4b:s6+s3], $0x80, v5, vm0, $0xb8;
	[tilespmem:$0x1FD00] =	vst v63  }
0xe0: {  	s17 =	simm.s32 $0x13D00  }
0xe1: {  	[tilespmem:s17], [sflag:$0x5] =	stream.indirect_vreg.gather [hbm4b:s2+s3], $0x80, v4, vm0, $0xb8;
	[tilespmem:$0x1FD00] =	vst v63  }
0xe2: {  	s17 =	simm.s32 $0x14500  }
0xe3: {  	[tilespmem:s17], [sflag:$0x5] =	stream.indirect_vreg.gather [hbm4b:s5+s3], $0x80, v4, vm0, $0xb8;
	[tilespmem:$0x1FD00] =	vst v63  }
0xe4: {  	s17 =	simm.s32 $0x14D00  }
0xe5: {  	[tilespmem:s17], [sflag:$0x5] =	stream.indirect_vreg.gather [hbm4b:s6+s3], $0x80, v4, vm0, $0xb8;
	[tilespmem:$0x1FD00] =	vst v63  }
0xe6: {  	v4 =	vld.msk [tilespmem:s8+$0xFFFFFFE8], $0xff;
	_ =	sdelay $0x4  }
0xe7: {  	v5 =	vshrl.u32 v4, $0x3  }
0xe8: {  	v5 =	vmul.u32 $0x30, v5  }
0xe9: {  	v4 =	vand.u32 $0x7, v4  }
0xea: {  	v4 =	vor.u32 v4, v5  }
0xeb: {  	v4 =	vperm.xlane v4, v1;
	_ =	sdelay $0x1  }
0xec: {  	v4 =	vadd.s32 v2, v4;
	_ =	sdelay $0x3  }
0xed: {  	s17 =	simm.s32 $0x15500  }
0xee: {  	[tilespmem:s17], [sflag:$0x5] =	stream.indirect_vreg.gather [hbm4b:s2+s3], $0x80, v4, vm0, $0xb8;
	[tilespmem:$0x1FD00] =	vst v63  }
0xef: {  	s17 =	simm.s32 $0x15D00  }
0xf0: {  	[tilespmem:s17], [sflag:$0x5] =	stream.indirect_vreg.gather [hbm4b:s5+s3], $0x80, v4, vm0, $0xb8;
	[tilespmem:$0x1FD00] =	vst v63  }
0xf1: {  	s17 =	simm.s32 $0x16500  }
0xf2: {  	[tilespmem:s17], [sflag:$0x5] =	stream.indirect_vreg.gather [hbm4b:s6+s3], $0x80, v4, vm0, $0xb8;
	[tilespmem:$0x1FD00] =	vst v63  }
0xf3: {  	_ =	swait.ge [sflag:s1], $0x4800  }
0xf4: {  	[sflag:s1] =	ssyncset.done $0x0  }
0xf5: {  	s16 =	sadd.s32 s7, s13;
	s17 =	simm.s32 $0x4D00;
	[sflag:s1] =	ssyncadd.s32 $0xFFFFB800  }
0xf6: {  	[hbm4b:s16+s3] =	stream.linear.scatter [tilespmem:s17], [sflag:$0x9], $0x4800, $0x38;
	[tilespmem:$0x1FD00] =	vst v63  }
0xf7: {  	s16 =	simm.s32 @!p0 $0xD  }
0xf8: {  	_ =	swait.ge @!p0 [sflag:s16], $0x4800  }
0xf9: {  	[sflag:s16] =	ssyncset.done @!p0 $0x0  }
0xfa: {  	[sflag:s16] =	ssyncadd.s32 @!p0 $0xFFFFB800  }
0xfb: {  	v4 =	vld [tilespmem:s8+$0xFFFFFFF0];
	_ =	sdelay $0x4  }
0xfc: {  	v5 =	vshrl.u32 v4, $0x3  }
0xfd: {  	v5 =	vmul.u32 $0x30, v5  }
0xfe: {  	v4 =	vand.u32 $0x7, v4  }
0xff: {  	v4 =	vor.u32 v4, v5  }
0x100: {  	v5 =	vperm.xlane v4, v1;
	_ =	sdelay $0x1  }
0x101: {  	v5 =	vadd.s32 v2, v5;
	_ =	sdelay $0x3  }
0x102: {  	v4 =	vperm.xlane v4, v3  }
0x103: {  	[tilespmem:s0], [sflag:$0x6] =	stream.indirect_vreg.gather [hbm4b:s2+s3], $0x80, v5, vm0, $0xb8;
	[tilespmem:$0x1FD00] =	vst v63  }
0x104: {  	s17 =	simm.s32 $0x17500;
	v4 =	vadd.s32 v2, v4  }
0x105: {  	[tilespmem:s17], [sflag:$0x6] =	stream.indirect_vreg.gather [hbm4b:s5+s3], $0x80, v5, vm0, $0xb8;
	[tilespmem:$0x1FD00] =	vst v63  }
0x106: {  	s17 =	simm.s32 $0x17D00  }
0x107: {  	[tilespmem:s17], [sflag:$0x6] =	stream.indirect_vreg.gather [hbm4b:s6+s3], $0x80, v5, vm0, $0xb8;
	[tilespmem:$0x1FD00] =	vst v63  }
0x108: {  	s17 =	simm.s32 $0x18500  }
0x109: {  	[tilespmem:s17], [sflag:$0x6] =	stream.indirect_vreg.gather [hbm4b:s2+s3], $0x80, v4, vm0, $0xb8;
	[tilespmem:$0x1FD00] =	vst v63  }
0x10a: {  	s17 =	simm.s32 $0x18D00  }
0x10b: {  	[tilespmem:s17], [sflag:$0x6] =	stream.indirect_vreg.gather [hbm4b:s5+s3], $0x80, v4, vm0, $0xb8;
	[tilespmem:$0x1FD00] =	vst v63  }
0x10c: {  	s17 =	simm.s32 $0x19500  }
0x10d: {  	[tilespmem:s17], [sflag:$0x6] =	stream.indirect_vreg.gather [hbm4b:s6+s3], $0x80, v4, vm0, $0xb8;
	[tilespmem:$0x1FD00] =	vst v63  }
0x10e: {  	v4 =	vld.msk [tilespmem:s8+$0x0], $0xff;
	_ =	sdelay $0x4  }
0x10f: {  	v5 =	vshrl.u32 v4, $0x3  }
0x110: {  	v5 =	vmul.u32 $0x30, v5  }
0x111: {  	v4 =	vand.u32 $0x7, v4  }
0x112: {  	v4 =	vor.u32 v4, v5  }
0x113: {  	v4 =	vperm.xlane v4, v1;
	_ =	sdelay $0x1  }
0x114: {  	v4 =	vadd.s32 v2, v4;
	_ =	sdelay $0x3  }
0x115: {  	s17 =	simm.s32 $0x19D00  }
0x116: {  	[tilespmem:s17], [sflag:$0x6] =	stream.indirect_vreg.gather [hbm4b:s2+s3], $0x80, v4, vm0, $0xb8;
	[tilespmem:$0x1FD00] =	vst v63  }
0x117: {  	s17 =	simm.s32 $0x1A500  }
0x118: {  	[tilespmem:s17], [sflag:$0x6] =	stream.indirect_vreg.gather [hbm4b:s5+s3], $0x80, v4, vm0, $0xb8;
	[tilespmem:$0x1FD00] =	vst v63  }
0x119: {  	s17 =	simm.s32 $0x1AD00  }
0x11a: {  	[tilespmem:s17], [sflag:$0x6] =	stream.indirect_vreg.gather [hbm4b:s6+s3], $0x80, v4, vm0, $0xb8;
	[tilespmem:$0x1FD00] =	vst v63  }
0x11b: {  	_ =	swait.ge [sflag:s30], $0x4800  }
0x11c: {  	[sflag:s30] =	ssyncset.done $0x0  }
0x11d: {  	s16 =	sadd.s32 s7, s15;
	s17 =	simm.s32 $0x9500;
	[sflag:s30] =	ssyncadd.s32 $0xFFFFB800  }
0x11e: {  	[hbm4b:s16+s3] =	stream.linear.scatter [tilespmem:s17], [sflag:$0xA], $0x4800, $0x38;
	[tilespmem:$0x1FD00] =	vst v63  }
0x11f: {  	s16 =	simm.s32 @!p0 $0xE  }
0x120: {  	_ =	swait.ge @!p0 [sflag:s16], $0x4800  }
0x121: {  	[sflag:s16] =	ssyncset.done @!p0 $0x0  }
0x122: {  	[sflag:s16] =	ssyncadd.s32 @!p0 $0xFFFFB800  }
0x123: {  	v4 =	vld [tilespmem:s8+$0x8];
	_ =	sdelay $0x4  }
0x124: {  	v5 =	vshrl.u32 v4, $0x3  }
0x125: {  	v5 =	vmul.u32 $0x30, v5  }
0x126: {  	v4 =	vand.u32 $0x7, v4  }
0x127: {  	v4 =	vor.u32 v4, v5  }
0x128: {  	v5 =	vperm.xlane v4, v1;
	_ =	sdelay $0x1  }
0x129: {  	v5 =	vadd.s32 v2, v5;
	_ =	sdelay $0x3  }
0x12a: {  	v4 =	vperm.xlane v4, v3  }
0x12b: {  	[tilespmem:s4], [sflag:$0x7] =	stream.indirect_vreg.gather [hbm4b:s2+s3], $0x80, v5, vm0, $0xb8;
	[tilespmem:$0x1FD00] =	vst v63  }
0x12c: {  	s17 =	simm.s32 $0x1BD00;
	v4 =	vadd.s32 v2, v4  }
0x12d: {  	[tilespmem:s17], [sflag:$0x7] =	stream.indirect_vreg.gather [hbm4b:s5+s3], $0x80, v5, vm0, $0xb8;
	[tilespmem:$0x1FD00] =	vst v63  }
0x12e: {  	s17 =	simm.s32 $0x1C500  }
0x12f: {  	[tilespmem:s17], [sflag:$0x7] =	stream.indirect_vreg.gather [hbm4b:s6+s3], $0x80, v5, vm0, $0xb8;
	[tilespmem:$0x1FD00] =	vst v63  }
0x130: {  	s17 =	simm.s32 $0x1CD00  }
0x131: {  	[tilespmem:s17], [sflag:$0x7] =	stream.indirect_vreg.gather [hbm4b:s2+s3], $0x80, v4, vm0, $0xb8;
	[tilespmem:$0x1FD00] =	vst v63  }
0x132: {  	s17 =	simm.s32 $0x1D500  }
0x133: {  	[tilespmem:s17], [sflag:$0x7] =	stream.indirect_vreg.gather [hbm4b:s5+s3], $0x80, v4, vm0, $0xb8;
	[tilespmem:$0x1FD00] =	vst v63  }
0x134: {  	_ = 	snop  }
0x135: {  	[tilespmem:s26], [sflag:$0x7] =	stream.indirect_vreg.gather [hbm4b:s6+s3], $0x80, v4, vm0, $0xb8;
	[tilespmem:$0x1FD00] =	vst v63  }
0x136: {  	v4 =	vld.msk [tilespmem:s8+$0x18], $0xff;
	_ =	sdelay $0x4  }
0x137: {  	v5 =	vshrl.u32 v4, $0x3  }
0x138: {  	v5 =	vmul.u32 $0x30, v5  }
0x139: {  	v4 =	vand.u32 $0x7, v4  }
0x13a: {  	v4 =	vor.u32 v4, v5  }
0x13b: {  	v4 =	vperm.xlane v4, v1;
	_ =	sdelay $0x1  }
0x13c: {  	v4 =	vadd.s32 v2, v4;
	_ =	sdelay $0x4  }
0x13d: {  	[tilespmem:s18], [sflag:$0x7] =	stream.indirect_vreg.gather [hbm4b:s2+s3], $0x80, v4, vm0, $0xb8;
	[tilespmem:$0x1FD00] =	vst v63  }
0x13e: {  	_ = 	snop  }
0x13f: {  	[tilespmem:s19], [sflag:$0x7] =	stream.indirect_vreg.gather [hbm4b:s5+s3], $0x80, v4, vm0, $0xb8;
	[tilespmem:$0x1FD00] =	vst v63  }
0x140: {  	_ = 	snop  }
0x141: {  	[tilespmem:s21], [sflag:$0x7] =	stream.indirect_vreg.gather [hbm4b:s6+s3], $0x80, v4, vm0, $0xb8;
	[tilespmem:$0x1FD00] =	vst v63  }
0x142: {  	_ =	swait.ge [sflag:s22], $0x4800  }
0x143: {  	p0 =	seq.s32 s7, $0x17A00;
	[sflag:s22] =	ssyncset.done $0x0  }
0x144: {  	s16 =	simm.s32 @!p0 $0x8;
	s17 =	sadd.s32 s7, s14;
	[sflag:s22] =	ssyncadd.s32 $0xFFFFB800  }
0x145: {  	[hbm4b:s17+s3] =	stream.linear.scatter [tilespmem:s31], [sflag:$0xB], $0x4800, $0x38;
	[tilespmem:$0x1FD00] =	vst v63  }
0x146: {  	_ =	swait.ge @!p0 [sflag:s16], $0x4800  }
0x147: {  	[sflag:s16] =	ssyncset.done @!p0 $0x0  }
0x148: {  	[sflag:s16] =	ssyncadd.s32 @!p0 $0xFFFFB800  }
0x149: {  	v4 =	vld @!p0 [tilespmem:s8+$0x20];
	_ =	sdelay $0x4  }
0x14a: {  	v5 =	vshrl.u32 @!p0 v4, $0x3  }
0x14b: {  	v5 =	vmul.u32 @!p0 $0x30, v5  }
0x14c: {  	v6 =	vlaneseq.u32 @!p0;
	v4 =	vand.u32 @!p0 $0x7, v4  }
0x14d: {  	v7 =	vshrl.u32 @!p0 v6, $0x3;
	v4 =	vor.u32 @!p0 v4, v5;
	v5 =	vand.u32 @!p0 $0x7, v6  }
0x14e: {  	v7 =	vmul.u32 @!p0 $0x8, v7;
	v8 =	vperm.xlane @!p0 v4, v5;
	_ =	sdelay $0x1  }
0x14f: {  	v8 =	vadd.s32 @!p0 v7, v8;
	_ =	sdelay $0x2  }
0x150: {  	v6 =	vor.u32 @!p0 $0x8, v6  }
0x151: {  	vm1 =	vmmov @!p0 $0xffff;
	s17 =	simm.s32 @!p0 $0x500;
	s16 =	simm.s32 @!p0 $0x0;
	v4 =	vperm.xlane @!p0 v4, v6  }
0x152: {  	[tilespmem:s17], [sflag:$0x1] =	stream.indirect_vreg.gather @!p0 [hbm4b:s2+s16], $0x80, v8, vm1, $0xb8;
	[tilespmem:$0x1FD00] =	vst v63  }
0x153: {  	v4 =	vadd.s32 @!p0 v7, v4;
	s17 =	simm.s32 @!p0 $0xD00  }
0x154: {  	[tilespmem:s17], [sflag:$0x1] =	stream.indirect_vreg.gather @!p0 [hbm4b:s5+s16], $0x80, v8, vm1, $0xb8;
	[tilespmem:$0x1FD00] =	vst v63  }
0x155: {  	s17 =	simm.s32 @!p0 $0x1500  }
0x156: {  	[tilespmem:s17], [sflag:$0x1] =	stream.indirect_vreg.gather @!p0 [hbm4b:s6+s16], $0x80, v8, vm1, $0xb8;
	[tilespmem:$0x1FD00] =	vst v63  }
0x157: {  	s17 =	simm.s32 @!p0 $0x1D00  }
0x158: {  	[tilespmem:s17], [sflag:$0x1] =	stream.indirect_vreg.gather @!p0 [hbm4b:s2+s16], $0x80, v4, vm1, $0xb8;
	[tilespmem:$0x1FD00] =	vst v63  }
0x159: {  	s17 =	simm.s32 @!p0 $0x2500  }
0x15a: {  	[tilespmem:s17], [sflag:$0x1] =	stream.indirect_vreg.gather @!p0 [hbm4b:s5+s16], $0x80, v4, vm1, $0xb8;
	[tilespmem:$0x1FD00] =	vst v63  }
0x15b: {  	s17 =	simm.s32 @!p0 $0x2D00  }
0x15c: {  	[tilespmem:s17], [sflag:$0x1] =	stream.indirect_vreg.gather @!p0 [hbm4b:s6+s16], $0x80, v4, vm1, $0xb8;
	[tilespmem:$0x1FD00] =	vst v63  }
0x15d: {  	v4 =	vld.msk @!p0 [tilespmem:s8+$0x30], $0xff;
	_ =	sdelay $0x4  }
0x15e: {  	v8 =	vshrl.u32 @!p0 v4, $0x3  }
0x15f: {  	v8 =	vmul.u32 @!p0 $0x30, v8  }
0x160: {  	v4 =	vand.u32 @!p0 $0x7, v4  }
0x161: {  	v4 =	vor.u32 @!p0 v4, v8  }
0x162: {  	v4 =	vperm.xlane @!p0 v4, v5;
	_ =	sdelay $0x1  }
0x163: {  	v4 =	vadd.s32 @!p0 v7, v4;
	_ =	sdelay $0x3  }
0x164: {  	s17 =	simm.s32 @!p0 $0x3500  }
0x165: {  	[tilespmem:s17], [sflag:$0x1] =	stream.indirect_vreg.gather @!p0 [hbm4b:s2+s16], $0x80, v4, vm1, $0xb8;
	[tilespmem:$0x1FD00] =	vst v63  }
0x166: {  	s17 =	simm.s32 @!p0 $0x3D00  }
0x167: {  	[tilespmem:s17], [sflag:$0x1] =	stream.indirect_vreg.gather @!p0 [hbm4b:s5+s16], $0x80, v4, vm1, $0xb8;
	[tilespmem:$0x1FD00] =	vst v63  }
0x168: {  	s17 =	simm.s32 @!p0 $0x4500  }
0x169: {  	[tilespmem:s17], [sflag:$0x1] =	stream.indirect_vreg.gather @!p0 [hbm4b:s6+s16], $0x80, v4, vm1, $0xb8;
	[tilespmem:$0x1FD00] =	vst v63  }
0x16a: {  	_ =	swait.ge [sflag:s23], $0x4800  }
0x16b: {  	[sflag:s23] =	ssyncset.done $0x0  }
0x16c: {  	s17 =	sadd.s32 s7, s9;
	[sflag:s23] =	ssyncadd.s32 $0xFFFFB800  }
0x16d: {  	[hbm4b:s17+s3] =	stream.linear.scatter [tilespmem:s28], [sflag:$0xC], $0x4800, $0x38;
	[tilespmem:$0x1FD00] =	vst v63  }
0x16e: {  	s17 =	simm.s32 @!p0 $0x9  }
0x16f: {  	_ =	swait.ge @!p0 [sflag:s17], $0x4800  }
0x170: {  	[sflag:s17] =	ssyncset.done @!p0 $0x0  }
0x171: {  	[sflag:s17] =	ssyncadd.s32 @!p0 $0xFFFFB800  }
0x172: {  	v4 =	vld @!p0 [tilespmem:s8+$0x38];
	_ =	sdelay $0x4  }
0x173: {  	v8 =	vshrl.u32 @!p0 v4, $0x3  }
0x174: {  	v8 =	vmul.u32 @!p0 $0x30, v8  }
0x175: {  	v4 =	vand.u32 @!p0 $0x7, v4  }
0x176: {  	v4 =	vor.u32 @!p0 v4, v8  }
0x177: {  	v8 =	vperm.xlane @!p0 v4, v5;
	_ =	sdelay $0x1  }
0x178: {  	v8 =	vadd.s32 @!p0 v7, v8;
	_ =	sdelay $0x3  }
0x179: {  	s17 =	simm.s32 @!p0 $0x4D00;
	v4 =	vperm.xlane @!p0 v4, v6  }
0x17a: {  	[tilespmem:s17], [sflag:$0x2] =	stream.indirect_vreg.gather @!p0 [hbm4b:s2+s16], $0x80, v8, vm1, $0xb8;
	[tilespmem:$0x1FD00] =	vst v63  }
0x17b: {  	v4 =	vadd.s32 @!p0 v7, v4;
	s17 =	simm.s32 @!p0 $0x5500  }
0x17c: {  	[tilespmem:s17], [sflag:$0x2] =	stream.indirect_vreg.gather @!p0 [hbm4b:s5+s16], $0x80, v8, vm1, $0xb8;
	[tilespmem:$0x1FD00] =	vst v63  }
0x17d: {  	s17 =	simm.s32 @!p0 $0x5D00  }
0x17e: {  	[tilespmem:s17], [sflag:$0x2] =	stream.indirect_vreg.gather @!p0 [hbm4b:s6+s16], $0x80, v8, vm1, $0xb8;
	[tilespmem:$0x1FD00] =	vst v63  }
0x17f: {  	s17 =	simm.s32 @!p0 $0x6500  }
0x180: {  	[tilespmem:s17], [sflag:$0x2] =	stream.indirect_vreg.gather @!p0 [hbm4b:s2+s16], $0x80, v4, vm1, $0xb8;
	[tilespmem:$0x1FD00] =	vst v63  }
0x181: {  	s17 =	simm.s32 @!p0 $0x6D00  }
0x182: {  	[tilespmem:s17], [sflag:$0x2] =	stream.indirect_vreg.gather @!p0 [hbm4b:s5+s16], $0x80, v4, vm1, $0xb8;
	[tilespmem:$0x1FD00] =	vst v63  }
0x183: {  	s17 =	simm.s32 @!p0 $0x7500  }
0x184: {  	[tilespmem:s17], [sflag:$0x2] =	stream.indirect_vreg.gather @!p0 [hbm4b:s6+s16], $0x80, v4, vm1, $0xb8;
	[tilespmem:$0x1FD00] =	vst v63  }
0x185: {  	v4 =	vld.msk @!p0 [tilespmem:s8+$0x48], $0xff;
	_ =	sdelay $0x4  }
0x186: {  	v8 =	vshrl.u32 @!p0 v4, $0x3  }
0x187: {  	v8 =	vmul.u32 @!p0 $0x30, v8  }
0x188: {  	v4 =	vand.u32 @!p0 $0x7, v4  }
0x189: {  	v4 =	vor.u32 @!p0 v4, v8  }
0x18a: {  	v4 =	vperm.xlane @!p0 v4, v5;
	_ =	sdelay $0x1  }
0x18b: {  	v4 =	vadd.s32 @!p0 v7, v4;
	_ =	sdelay $0x3  }
0x18c: {  	s17 =	simm.s32 @!p0 $0x7D00  }
0x18d: {  	[tilespmem:s17], [sflag:$0x2] =	stream.indirect_vreg.gather @!p0 [hbm4b:s2+s16], $0x80, v4, vm1, $0xb8;
	[tilespmem:$0x1FD00] =	vst v63  }
0x18e: {  	s17 =	simm.s32 @!p0 $0x8500  }
0x18f: {  	[tilespmem:s17], [sflag:$0x2] =	stream.indirect_vreg.gather @!p0 [hbm4b:s5+s16], $0x80, v4, vm1, $0xb8;
	[tilespmem:$0x1FD00] =	vst v63  }
0x190: {  	s17 =	simm.s32 @!p0 $0x8D00  }
0x191: {  	[tilespmem:s17], [sflag:$0x2] =	stream.indirect_vreg.gather @!p0 [hbm4b:s6+s16], $0x80, v4, vm1, $0xb8;
	[tilespmem:$0x1FD00] =	vst v63  }
0x192: {  	_ =	swait.ge [sflag:s20], $0x4800  }
0x193: {  	[sflag:s20] =	ssyncset.done $0x0  }
0x194: {  	s17 =	sadd.s32 s7, s10;
	[sflag:s20] =	ssyncadd.s32 $0xFFFFB800  }
0x195: {  	[hbm4b:s17+s3] =	stream.linear.scatter [tilespmem:s0], [sflag:$0xD], $0x4800, $0x38;
	[tilespmem:$0x1FD00] =	vst v63  }
0x196: {  	s17 =	simm.s32 @!p0 $0xA  }
0x197: {  	_ =	swait.ge @!p0 [sflag:s17], $0x4800  }
0x198: {  	[sflag:s17] =	ssyncset.done @!p0 $0x0  }
0x199: {  	[sflag:s17] =	ssyncadd.s32 @!p0 $0xFFFFB800  }
0x19a: {  	v4 =	vld @!p0 [tilespmem:s8+$0x50];
	_ =	sdelay $0x4  }
0x19b: {  	v8 =	vshrl.u32 @!p0 v4, $0x3  }
0x19c: {  	v8 =	vmul.u32 @!p0 $0x30, v8  }
0x19d: {  	v4 =	vand.u32 @!p0 $0x7, v4  }
0x19e: {  	v4 =	vor.u32 @!p0 v4, v8  }
0x19f: {  	v8 =	vperm.xlane @!p0 v4, v5;
	_ =	sdelay $0x1  }
0x1a0: {  	v8 =	vadd.s32 @!p0 v7, v8;
	_ =	sdelay $0x3  }
0x1a1: {  	s17 =	simm.s32 @!p0 $0x9500;
	v4 =	vperm.xlane @!p0 v4, v6  }
0x1a2: {  	[tilespmem:s17], [sflag:$0x3] =	stream.indirect_vreg.gather @!p0 [hbm4b:s2+s16], $0x80, v8, vm1, $0xb8;
	[tilespmem:$0x1FD00] =	vst v63  }
0x1a3: {  	v4 =	vadd.s32 @!p0 v7, v4;
	s17 =	simm.s32 @!p0 $0x9D00  }
0x1a4: {  	[tilespmem:s17], [sflag:$0x3] =	stream.indirect_vreg.gather @!p0 [hbm4b:s5+s16], $0x80, v8, vm1, $0xb8;
	[tilespmem:$0x1FD00] =	vst v63  }
0x1a5: {  	s17 =	simm.s32 @!p0 $0xA500  }
0x1a6: {  	[tilespmem:s17], [sflag:$0x3] =	stream.indirect_vreg.gather @!p0 [hbm4b:s6+s16], $0x80, v8, vm1, $0xb8;
	[tilespmem:$0x1FD00] =	vst v63  }
0x1a7: {  	s17 =	simm.s32 @!p0 $0xAD00  }
0x1a8: {  	[tilespmem:s17], [sflag:$0x3] =	stream.indirect_vreg.gather @!p0 [hbm4b:s2+s16], $0x80, v4, vm1, $0xb8;
	[tilespmem:$0x1FD00] =	vst v63  }
0x1a9: {  	s17 =	simm.s32 @!p0 $0xB500  }
0x1aa: {  	[tilespmem:s17], [sflag:$0x3] =	stream.indirect_vreg.gather @!p0 [hbm4b:s5+s16], $0x80, v4, vm1, $0xb8;
	[tilespmem:$0x1FD00] =	vst v63  }
0x1ab: {  	s17 =	simm.s32 @!p0 $0xBD00  }
0x1ac: {  	[tilespmem:s17], [sflag:$0x3] =	stream.indirect_vreg.gather @!p0 [hbm4b:s6+s16], $0x80, v4, vm1, $0xb8;
	[tilespmem:$0x1FD00] =	vst v63  }
0x1ad: {  	v4 =	vld.msk @!p0 [tilespmem:s8+$0x60], $0xff;
	_ =	sdelay $0x4  }
0x1ae: {  	v6 =	vshrl.u32 @!p0 v4, $0x3  }
0x1af: {  	v6 =	vmul.u32 @!p0 $0x30, v6  }
0x1b0: {  	v4 =	vand.u32 @!p0 $0x7, v4  }
0x1b1: {  	v4 =	vor.u32 @!p0 v4, v6  }
0x1b2: {  	v4 =	vperm.xlane @!p0 v4, v5;
	_ =	sdelay $0x1  }
0x1b3: {  	v4 =	vadd.s32 @!p0 v7, v4;
	_ =	sdelay $0x3  }
0x1b4: {  	s17 =	simm.s32 @!p0 $0xC500  }
0x1b5: {  	[tilespmem:s17], [sflag:$0x3] =	stream.indirect_vreg.gather @!p0 [hbm4b:s2+s16], $0x80, v4, vm1, $0xb8;
	[tilespmem:$0x1FD00] =	vst v63  }
0x1b6: {  	s17 =	simm.s32 @!p0 $0xCD00  }
0x1b7: {  	[tilespmem:s17], [sflag:$0x3] =	stream.indirect_vreg.gather @!p0 [hbm4b:s5+s16], $0x80, v4, vm1, $0xb8;
	[tilespmem:$0x1FD00] =	vst v63  }
0x1b8: {  	s17 =	simm.s32 @!p0 $0xD500  }
0x1b9: {  	[tilespmem:s17], [sflag:$0x3] =	stream.indirect_vreg.gather @!p0 [hbm4b:s6+s16], $0x80, v4, vm1, $0xb8;
	[tilespmem:$0x1FD00] =	vst v63  }
.Ltmp3:
0x1ba: {  	_ = 	snop;
	(pc) =	sbr.rel @p0 .LBB2_6-.Ltmp3, $4  }
0x1bb: {  	_ =	swait.ge [sflag:s24], $0x4800  }
0x1bc: {  	[sflag:s24] =	ssyncset.done $0x0  }
0x1bd: {  	s17 =	sadd.s32 s7, s11;
	[sflag:s24] =	ssyncadd.s32 $0xFFFFB800  }
0x1be: {  	[hbm4b:s17+s3] =	stream.linear.scatter [tilespmem:s4], [sflag:$0xE], $0x4800, $0x38;
	[tilespmem:$0x1FD00] =	vst v63  }
0x1bf: {  	_ =	swait.ge [sflag:s29], $0x4800  }
0x1c0: {  	[sflag:s29] =	ssyncset.done $0x0  }
0x1c1: {  	[sflag:s29] =	ssyncadd.s32 $0xFFFFB800  }
0x1c2: {  	v4 =	vld [tilespmem:s8+$0x68];
	_ =	sdelay $0x4  }
0x1c3: {  	v5 =	vshrl.u32 v4, $0x3  }
0x1c4: {  	v5 =	vmul.u32 $0x30, v5  }
0x1c5: {  	v4 =	vand.u32 $0x7, v4  }
0x1c6: {  	v4 =	vor.u32 v4, v5  }
0x1c7: {  	v5 =	vperm.xlane v4, v1;
	_ =	sdelay $0x1  }
0x1c8: {  	v5 =	vadd.s32 v2, v5;
	_ =	sdelay $0x3  }
0x1c9: {  	v4 =	vperm.xlane v4, v3  }
0x1ca: {  	[tilespmem:s31], [sflag:$0x4] =	stream.indirect_vreg.gather [hbm4b:s2+s3], $0x80, v5, vm0, $0xb8;
	[tilespmem:$0x1FD00] =	vst v63  }
0x1cb: {  	s16 =	simm.s32 $0xE500;
	v4 =	vadd.s32 v2, v4  }
0x1cc: {  	[tilespmem:s16], [sflag:$0x4] =	stream.indirect_vreg.gather [hbm4b:s5+s3], $0x80, v5, vm0, $0xb8;
	[tilespmem:$0x1FD00] =	vst v63  }
0x1cd: {  	s17 =	simm.s32 $0xED00  }
0x1ce: {  	[tilespmem:s17], [sflag:$0x4] =	stream.indirect_vreg.gather [hbm4b:s6+s3], $0x80, v5, vm0, $0xb8;
	[tilespmem:$0x1FD00] =	vst v63  }
0x1cf: {  	s17 =	simm.s32 $0xF500  }
0x1d0: {  	[tilespmem:s17], [sflag:$0x4] =	stream.indirect_vreg.gather [hbm4b:s2+s3], $0x80, v4, vm0, $0xb8;
	[tilespmem:$0x1FD00] =	vst v63  }
0x1d1: {  	s17 =	simm.s32 $0xFD00  }
0x1d2: {  	[tilespmem:s17], [sflag:$0x4] =	stream.indirect_vreg.gather [hbm4b:s5+s3], $0x80, v4, vm0, $0xb8;
	[tilespmem:$0x1FD00] =	vst v63  }
0x1d3: {  	s17 =	simm.s32 $0x10500  }
0x1d4: {  	[tilespmem:s17], [sflag:$0x4] =	stream.indirect_vreg.gather [hbm4b:s6+s3], $0x80, v4, vm0, $0xb8;
	[tilespmem:$0x1FD00] =	vst v63  }
0x1d5: {  	v4 =	vld.msk [tilespmem:s8+$0x78], $0xff;
	_ =	sdelay $0x4  }
0x1d6: {  	v5 =	vshrl.u32 v4, $0x3  }
0x1d7: {  	v5 =	vmul.u32 $0x30, v5  }
0x1d8: {  	v4 =	vand.u32 $0x7, v4  }
0x1d9: {  	v4 =	vor.u32 v4, v5  }
0x1da: {  	v4 =	vperm.xlane v4, v1;
	_ =	sdelay $0x1  }
0x1db: {  	v4 =	vadd.s32 v2, v4;
	_ =	sdelay $0x3  }
0x1dc: {  	s17 =	simm.s32 $0x10D00  }
0x1dd: {  	[tilespmem:s17], [sflag:$0x4] =	stream.indirect_vreg.gather [hbm4b:s2+s3], $0x80, v4, vm0, $0xb8;
	[tilespmem:$0x1FD00] =	vst v63  }
.Ltmp4:
0x1de: {  	_ = 	snop;
	(pc) =	sbr.rel .LBB2_4-.Ltmp4, $4  }
0x1df: {  	s17 =	simm.s32 $0x11500  }
0x1e0: {  	[tilespmem:s17], [sflag:$0x4] =	stream.indirect_vreg.gather [hbm4b:s5+s3], $0x80, v4, vm0, $0xb8;
	[tilespmem:$0x1FD00] =	vst v63  }
0x1e1: {  	s7 =	sadd.s32 $0x3F00, s7;
	s8 =	sadd.s32 $0xA8, s8;
	s17 =	simm.s32 $0x11D00  }
0x1e2: {  	[tilespmem:s17], [sflag:$0x4] =	stream.indirect_vreg.gather [hbm4b:s6+s3], $0x80, v4, vm0, $0xb8;
	[tilespmem:$0x1FD00] =	vst v63  }
.LBB2_7:
0x1e3: {  	_ =	sfence.sel $0x180000  }
0x1e4: {  	[bflag:$0x0] =	sbarrier.arrive $0xFFFF  }
0x1e5: {  	_ =	strace $0x90000047  }
0x1e6: {  	s0 =	stileid.u32;
	[bflag:$0x2] =	sbarrier.arrive $0xFFFF  }
0x1e7: {  	p0 =	sne.s32 s0, $0x0;
	s0 =	rddreg [dreg:$0x3]  }
0x1e8: {  	s0 =	sadd.s32 @!p0 $0x100000, s0  }
0x1e9: {  	[sflag:s0] =	ssyncadd.tile.s32 @!p0 $0x1;
	_ =	shalt  }
.Lfunc_end2:
_tile_overlayer_lowered:
.L_overlay_start_2:
0x1ea: {  	(tag) =	ssettag $0x2  }
0x1eb: {  	s0 =	rddreg [dreg:$0x0];
	s2 =	stileid.u32  }
0x1ec: {  	s1 =	rddreg [dreg:$0x1];
	p0 =	sne.s32 s2, $0x0  }
0x1ed: {  	s3 =	rddreg [dreg:$0x2];
	[bflag:$0x3] =	sbarrier.arrive $0xFFFF;
	s2 =	simm.s32 @!p0 $0x1C0F  }
0x1ee: {  	[timem:s3], [sflag:s2] =	dma.local @!p0 [hbm:s0], s1  }
0x1ef: {  	s0 =	simm.s32 @!p0 $0xF  }
0x1f0: {  	_ =	swait.ge @!p0 [sflag:s0], s1  }
0x1f1: {  	s1 =	ssub.s32 @!p0 $0x0, s1;
	[sflag:s0] =	ssyncset.done @!p0 $0x0  }
0x1f2: {  	[sflag:s0] =	ssyncadd.s32 @!p0 s1  }
0x1f3: {  	[bflag:$0x3] =	sbarrier.arrive $0xFFFF  }
0x1f4: {  	_ =	shalt  }

</sc_bundles>
